<compile_context>
chip_gen: v7x
topology: tpu7x:2x2x1
jax: 0.10.2.dev20260603
libtpu: 0.0.44.dev20260713+nightly
codegen_flags: <defaults>
</compile_context>

<pallas_src>
import functools
import math

import jax
import jax.numpy as jnp
from jax import lax
from jax.experimental import pallas as pl
from jax.experimental.pallas import tpu as pltpu
from jax.experimental.pallas import tpu_sc as plsc

_NUM_CLASSES = 21
_POOL = 7
_STRIDE = 16.0
_SCORE_TH = 0.05
_NMS_TH = 0.5
_TOP_N = 100
_PRE_NMS = 2000
_MIN_SIZE = 1.0
_FEAT_HW = 50
_DW_CLAMP = math.log(1000.0 / 16.0)

_N = 1000
_C = 512
_CELLS = _FEAT_HW * _FEAT_HW
_CELLS_PAD = 2560
_P49 = _POOL * _POOL
_NP = _N * _P49
_NP_PAD = 49152
_H = 4096
_BJ6 = 2048
_NJ6 = _H // _BJ6
_BJ7 = 2048
_NJ7 = _H // _BJ7
_BK7 = 512
_NK7 = _H // _BK7
_CAND = _N * (_NUM_CLASSES - 1)
_ROWS = 160
_LANES = 128
_BIG = 1 << 30


def _tr_body(x_ref, o_ref):
    o_ref[...] = x_ref[...].T


def _transpose_feat(featp):
    return pl.pallas_call(
        _tr_body,
        grid=(_CELLS_PAD // 256,),
        in_specs=[pl.BlockSpec((_C, 256), lambda i: (0, i))],
        out_specs=pl.BlockSpec((256, _C), lambda i: (i, 0)),
        out_shape=jax.ShapeDtypeStruct((_CELLS_PAD, _C), jnp.float32),
    )(featp)


def _idx_body(p_ref, o_ref):
    pp = p_ref[...]
    x1 = pp[:, 0:1] / _STRIDE
    y1 = pp[:, 1:2] / _STRIDE
    x2 = pp[:, 2:3] / _STRIDE
    y2 = pp[:, 3:4] / _STRIDE
    col = lax.broadcasted_iota(jnp.int32, (_N, _LANES), 1)
    px = (col % _POOL).astype(jnp.float32)
    py = (col // _POOL).astype(jnp.float32)
    gx = (px + 0.5) / _POOL
    gy = (py + 0.5) / _POOL
    sx = x1 + gx * (x2 - x1)
    sy = y1 + gy * (y2 - y1)
    ix = jnp.clip(jnp.floor(sx), 0.0, _FEAT_HW - 1).astype(jnp.int32)
    iy = jnp.clip(jnp.floor(sy), 0.0, _FEAT_HW - 1).astype(jnp.int32)
    flat = iy * _FEAT_HW + ix
    o_ref[...] = jnp.where(col < _P49, flat, 0)


def _roi_idx(proposals):
    return pl.pallas_call(
        _idx_body,
        in_specs=[pl.BlockSpec((_N, 4), lambda: (0, 0))],
        out_specs=pl.BlockSpec((_N, _LANES), lambda: (0, 0)),
        out_shape=jax.ShapeDtypeStruct((_N, _LANES), jnp.int32),
    )(proposals)


_NW = 32
_BPW = _NP_PAD // _NW
_GCH = 64


def _sc_gather(table, idx1d):
    mesh = plsc.VectorSubcoreMesh(core_axis_name="core",
                                  subcore_axis_name="subcore")

    @functools.partial(
        pl.kernel,
        out_type=jax.ShapeDtypeStruct((_NP_PAD, _C), jnp.float32),
        scratch_types=[
            pltpu.VMEM((_BPW,), jnp.int32),
            pltpu.VMEM((_GCH, _C), jnp.float32),
            pltpu.SemaphoreType.DMA,
        ],
        mesh=mesh,
    )
    def k(x_hbm, i_hbm, o_hbm, idx_v, rows_v, sem):
        wid = lax.axis_index("subcore") * 2 + lax.axis_index("core")
        base = wid * _BPW
        pltpu.sync_copy(i_hbm.at[pl.ds(base, _BPW)], idx_v)

        @pl.loop(0, _BPW // _GCH)
        def _(c):
            pltpu.async_copy(
                x_hbm.at[idx_v.at[pl.ds(c * _GCH, _GCH)]], rows_v, sem
            ).wait()
            pltpu.sync_copy(rows_v, o_hbm.at[pl.ds(base + c * _GCH, _GCH)])

    return k(table, idx1d)


def _fc6_body(g_ref, b_ref, w_hbm, o_ref, wbuf, sem):
    p = pl.program_id(0)
    j = pl.program_id(1)
    step = p * _NJ6 + j
    nsteps = _P49 * _NJ6

    @pl.when(step == 0)
    def _():
        pltpu.make_async_copy(w_hbm.at[:, p, pl.ds(j * _BJ6, _BJ6)],
                              wbuf.at[0], sem.at[0]).start()

    @pl.when(step + 1 < nsteps)
    def _():
        jn = jnp.where(j + 1 < _NJ6, j + 1, 0)
        pn = jnp.where(j + 1 < _NJ6, p, p + 1)
        pltpu.make_async_copy(w_hbm.at[:, pn, pl.ds(jn * _BJ6, _BJ6)],
                              wbuf.at[(step + 1) % 2],
                              sem.at[(step + 1) % 2]).start()

    slot = step % 2
    pltpu.make_async_copy(w_hbm.at[:, p, pl.ds(j * _BJ6, _BJ6)],
                          wbuf.at[slot], sem.at[slot]).wait()
    partial = jnp.dot(g_ref[...], wbuf[slot],
                      preferred_element_type=jnp.float32)
    js = pl.ds(j * _BJ6, _BJ6)

    @pl.when(p == 0)
    def _():
        o_ref[:, js] = partial

    @pl.when(p > 0)
    def _():
        o_ref[:, js] += partial

    @pl.when(p == _P49 - 1)
    def _():
        o_ref[:, js] = jnp.maximum(o_ref[:, js] + b_ref[0:1, js], 0.0)


def _fc6(G, W6r, b6):
    return pl.pallas_call(
        _fc6_body,
        grid=(_P49, _NJ6),
        in_specs=[
            pl.BlockSpec((_N, _C), lambda p, j: (p, 0)),
            pl.BlockSpec((1, _H), lambda p, j: (0, 0)),
            pl.BlockSpec(memory_space=pl.ANY),
        ],
        out_specs=pl.BlockSpec((_N, _H), lambda p, j: (0, 0)),
        out_shape=jax.ShapeDtypeStruct((_N, _H), jnp.float32),
        scratch_shapes=[
            pltpu.VMEM((2, _C, _BJ6), jnp.float32),
            pltpu.SemaphoreType.DMA((2,)),
        ],
        compiler_params=pltpu.CompilerParams(
            dimension_semantics=("arbitrary", "arbitrary")),
    )(G, b6, W6r)


def _fc7_body(h_ref, w_ref, b_ref, o_ref):
    j = pl.program_id(0)
    k = pl.program_id(1)
    partial = jnp.dot(h_ref[:, pl.ds(k * _BK7, _BK7)], w_ref[...],
                      preferred_element_type=jnp.float32)
    js = pl.ds(j * _BJ7, _BJ7)

    @pl.when(k == 0)
    def _():
        o_ref[:, js] = partial

    @pl.when(k > 0)
    def _():
        o_ref[:, js] += partial

    @pl.when(k == _NK7 - 1)
    def _():
        o_ref[:, js] = jnp.maximum(o_ref[:, js] + b_ref[0:1, js], 0.0)


def _fc7(h6, W7, b7):
    return pl.pallas_call(
        _fc7_body,
        grid=(_NJ7, _NK7),
        in_specs=[
            pl.BlockSpec((_N, _H), lambda j, k: (0, 0)),
            pl.BlockSpec((_BK7, _BJ7), lambda j, k: (k, j)),
            pl.BlockSpec((1, _H), lambda j, k: (0, 0)),
        ],
        out_specs=pl.BlockSpec((_N, _H), lambda j, k: (0, 0)),
        out_shape=jax.ShapeDtypeStruct((_N, _H), jnp.float32),
        compiler_params=pltpu.CompilerParams(
            dimension_semantics=("arbitrary", "arbitrary")),
    )(h6, W7, b7)


def _decode_body(h_ref, w_ref, b_ref, p_ref, img_ref, s_ref,
                 x1_ref, y1_ref, x2_ref, y2_ref):
    logits = jnp.dot(h_ref[...], w_ref[...],
                     preferred_element_type=jnp.float32) + b_ref[0:1, :]
    col = lax.broadcasted_iota(jnp.int32, (_N, _LANES), 1)
    ninf = jnp.float32(-jnp.inf)
    clsmask = col < _NUM_CLASSES
    m = jnp.max(jnp.where(clsmask, logits, ninf), axis=1, keepdims=True)
    e = jnp.exp(logits - m)
    ssum = jnp.sum(jnp.where(clsmask, e, 0.0), axis=1, keepdims=True)
    s_ref[...] = e / ssum

    comp = (col - _NUM_CLASSES) % 4
    std = jnp.where(comp < 2, jnp.float32(0.1), jnp.float32(0.2))
    r0 = logits * std
    a0 = r0
    a1 = jnp.roll(r0, -1, axis=1)
    a2 = jnp.roll(r0, -2, axis=1)
    a3 = jnp.roll(r0, -3, axis=1)
    dw = jnp.minimum(a2, jnp.float32(_DW_CLAMP))
    dh = jnp.minimum(a3, jnp.float32(_DW_CLAMP))

    pp = p_ref[...]
    w = pp[:, 2:3] - pp[:, 0:1]
    h = pp[:, 3:4] - pp[:, 1:2]
    cx = pp[:, 0:1] + 0.5 * w
    cy = pp[:, 1:2] + 0.5 * h
    pcx = a0 * w + cx
    pcy = a1 * h + cy
    pw = jnp.exp(dw) * w
    ph = jnp.exp(dh) * h
    him = img_ref[0, 0]
    wim = img_ref[0, 1]
    x1_ref[...] = jnp.clip(pcx - 0.5 * pw, 0.0, wim)
    y1_ref[...] = jnp.clip(pcy - 0.5 * ph, 0.0, him)
    x2_ref[...] = jnp.clip(pcx + 0.5 * pw, 0.0, wim)
    y2_ref[...] = jnp.clip(pcy + 0.5 * ph, 0.0, him)


def _decode(h7, Wcat, bcat, proposals, imgf):
    outs = [jax.ShapeDtypeStruct((_N, _LANES), jnp.float32)] * 5
    return pl.pallas_call(
        _decode_body,
        in_specs=[
            pl.BlockSpec((_N, _H), lambda: (0, 0)),
            pl.BlockSpec((_H, _LANES), lambda: (0, 0)),
            pl.BlockSpec((1, _LANES), lambda: (0, 0)),
            pl.BlockSpec((_N, 4), lambda: (0, 0)),
            pl.BlockSpec((1, 2), lambda: (0, 0)),
        ],
        out_specs=[pl.BlockSpec((_N, _LANES), lambda: (0, 0))] * 5,
        out_shape=outs,
    )(h7, Wcat, bcat, proposals, imgf)


def _nms_body(s_ref, x1_ref, y1_ref, x2_ref, y2_ref, det_ref):
    ninf = jnp.float32(-jnp.inf)
    s = s_ref[...]
    x1 = x1_ref[...]
    y1 = y1_ref[...]
    x2 = x2_ref[...]
    y2 = y2_ref[...]
    fi = (lax.broadcasted_iota(jnp.int32, (_ROWS, _LANES), 0) * _LANES
          + lax.broadcasted_iota(jnp.int32, (_ROWS, _LANES), 1))

    valid = (s > _SCORE_TH) & (x2 - x1 >= _MIN_SIZE) & (y2 - y1 >= _MIN_SIZE)
    msc = jnp.where(valid, s, ninf)
    key = lax.bitcast_convert_type(msc, jnp.int32)

    def bs_val(_, lh):
        lo, hi = lh
        mid = lo + (hi - lo + 1) // 2
        cnt = jnp.sum((key >= mid).astype(jnp.int32))
        ok = cnt >= _PRE_NMS
        return (jnp.where(ok, mid, lo), jnp.where(ok, hi, mid - 1))

    lo0 = jnp.int32(1)
    hi0 = jnp.int32(0x40000000)
    kth, _ = lax.fori_loop(0, 31, bs_val, (lo0, hi0))

    k1 = jnp.sum((key > kth).astype(jnp.int32))
    need = _PRE_NMS - k1
    ties = key == kth

    def bs_idx(_, lh):
        lo, hi = lh
        mid = (lo + hi) // 2
        c = jnp.sum((ties & (fi <= mid)).astype(jnp.int32))
        ok = c >= need
        return (jnp.where(ok, lo, mid + 1), jnp.where(ok, mid, hi))

    mstar, _ = lax.fori_loop(0, 16, bs_idx,
                             (jnp.int32(0), jnp.int32(_ROWS * _LANES - 1)))

    sel = (key > kth) | (ties & (fi <= mstar))
    sc0 = jnp.where(sel, msc, ninf)

    lab_all = (fi % (_NUM_CLASSES - 1) + 1).astype(jnp.float32)
    offv = lab_all * 1000.0
    ox1 = x1 + offv
    oy1 = y1 + offv
    ox2 = x2 + offv
    oy2 = y2 + offv
    area = (ox2 - ox1) * (oy2 - oy1)

    m0 = jnp.max(sc0)
    i_fb = jnp.min(jnp.where(sc0 == m0, fi, _BIG))
    i_fb = jnp.minimum(i_fb, jnp.int32(_CAND - 1))

    zrow = jnp.zeros((1, _LANES), jnp.float32)
    ciota = lax.broadcasted_iota(jnp.int32, (1, _LANES), 1)

    def body(k, carry):
        sc, ax1, ay1, ax2, ay2, alab, asc = carry
        mk = jnp.max(sc)
        i = jnp.min(jnp.where(sc == mk, fi, _BIG))
        i = jnp.where(mk == ninf, i_fb, i)
        pick = fi == i
        bx1 = jnp.sum(jnp.where(pick, x1, 0.0))
        by1 = jnp.sum(jnp.where(pick, y1, 0.0))
        bx2 = jnp.sum(jnp.where(pick, x2, 0.0))
        by2 = jnp.sum(jnp.where(pick, y2, 0.0))
        labi = i % (_NUM_CLASSES - 1) + 1
        labf = labi.astype(jnp.float32)
        off = labf * 1000.0
        b0 = bx1 + off
        b1 = by1 + off
        b2 = bx2 + off
        b3 = by2 + off
        a_b = (b2 - b0) * (b3 - b1)
        xx1 = jnp.maximum(b0, ox1)
        yy1 = jnp.maximum(b1, oy1)
        xx2 = jnp.minimum(b2, ox2)
        yy2 = jnp.minimum(b3, oy2)
        inter = jnp.maximum(xx2 - xx1, 0.0) * jnp.maximum(yy2 - yy1, 0.0)
        iou = inter / (a_b + area - inter)
        sc = jnp.where(iou > _NMS_TH, ninf, sc)
        sc = jnp.where(pick, ninf, sc)
        cm = ciota == k
        ax1 = jnp.where(cm, bx1, ax1)
        ay1 = jnp.where(cm, by1, ay1)
        ax2 = jnp.where(cm, bx2, ax2)
        ay2 = jnp.where(cm, by2, ay2)
        alab = jnp.where(cm, labf, alab)
        asc = jnp.where(cm, mk, asc)
        return sc, ax1, ay1, ax2, ay2, alab, asc

    init = (sc0, zrow, zrow, zrow, zrow, zrow, zrow)
    _, ax1, ay1, ax2, ay2, alab, asc = lax.fori_loop(0, _TOP_N, body, init)
    det_ref[...] = jnp.concatenate(
        [ax1, ay1, ax2, ay2, alab, asc, zrow, zrow], axis=0)


def _nms(s, x1, y1, x2, y2):
    return pl.pallas_call(
        _nms_body,
        in_specs=[pl.BlockSpec((_ROWS, _LANES), lambda: (0, 0))] * 5,
        out_specs=pl.BlockSpec((8, _LANES), lambda: (0, 0)),
        out_shape=jax.ShapeDtypeStruct((8, _LANES), jnp.float32),
    )(s, x1, y1, x2, y2)


def kernel(feature_map, proposals, image_shape, W_fc6, b_fc6, W_fc7, b_fc7,
           W_cls, b_cls, W_reg, b_reg):
    feat = feature_map[0].reshape(_C, _CELLS)
    featp = jnp.pad(feat, ((0, 0), (0, _CELLS_PAD - _CELLS)))
    table = _transpose_feat(featp)

    flat = _roi_idx(proposals)
    idxf = flat[:, :_P49].T.reshape(_NP)
    idxp = jnp.pad(idxf, (0, _NP_PAD - _NP))
    G = _sc_gather(table, idxp)

    W6r = W_fc6.reshape(_C, _P49, _H)
    h6 = _fc6(G, W6r, b_fc6.reshape(1, _H))
    h7 = _fc7(h6, W_fc7, b_fc7.reshape(1, _H))

    npad = _LANES - (_NUM_CLASSES + 4 * _NUM_CLASSES)
    Wcat = jnp.pad(jnp.concatenate([W_cls, W_reg], axis=1),
                   ((0, 0), (0, npad)))
    bcat = jnp.pad(jnp.concatenate([b_cls, b_reg]), (0, npad)).reshape(1, _LANES)
    imgf = image_shape.astype(jnp.float32).reshape(1, 2)
    probs, bx1, by1, bx2, by2 = _decode(h7, Wcat, bcat, proposals, imgf)

    c0 = _NUM_CLASSES + 4
    c1 = _NUM_CLASSES + 4 * _NUM_CLASSES

    def tiles(a, pad_val):
        flat20 = a.reshape(_CAND)
        return jnp.pad(flat20, (0, _ROWS * _LANES - _CAND),
                       constant_values=pad_val).reshape(_ROWS, _LANES)

    s = tiles(probs[:, 1:_NUM_CLASSES], -1.0)
    tx1 = tiles(bx1[:, c0:c1:4], 0.0)
    ty1 = tiles(by1[:, c0:c1:4], 0.0)
    tx2 = tiles(bx2[:, c0:c1:4], 0.0)
    ty2 = tiles(by2[:, c0:c1:4], 0.0)

    det = _nms(s, tx1, ty1, tx2, ty2)
    det_boxes = jnp.stack([det[0, :_TOP_N], det[1, :_TOP_N],
                           det[2, :_TOP_N], det[3, :_TOP_N]], axis=1)
    det_labels = det[4, :_TOP_N].astype(jnp.int32)
    keep_scores = det[5, :_TOP_N]
    return det_boxes, det_labels, keep_scores

# --- scband reference (transcript-rebuilt; emitter-appended) ---
"""Pipeline reference for scband-roihead-87299505258966 (READ-ONLY COPY).

The authoritative reference and input builder live on the scoring server;
editing this copy changes nothing except your own understanding.
"""

import jax, jax.numpy as jnp
import numpy as np
import math

NUM_CLASSES = 21
POOL = 7
STRIDE = 16.0
SCORE_TH = 0.05
NMS_TH = 0.5
TOP_N = 100
PRE_NMS = 2000
MIN_SIZE = 1.0
FEAT_HW = 50
REG_STD = np.array([0.1, 0.1, 0.2, 0.2], dtype=np.float32)
REG_MEAN = np.array([0.0, 0.0, 0.0, 0.0], dtype=np.float32)
DW_CLAMP = math.log(1000.0 / 16.0)


def setup_inputs(seed: int = 0):
    key = jax.random.key(seed)
    ks = jax.random.split(key, 12)
    N = 1000
    IMG = 800.0
    feature_map = jax.random.normal(ks[0], (1, 512, FEAT_HW, FEAT_HW), dtype=jnp.float32)
    cx = jax.random.uniform(ks[1], (N,), minval=0.0, maxval=IMG)
    cy = jax.random.uniform(ks[2], (N,), minval=0.0, maxval=IMG)
    w = jax.random.uniform(ks[3], (N,), minval=16.0, maxval=256.0)
    h = jax.random.uniform(ks[4], (N,), minval=16.0, maxval=256.0)
    x1 = jnp.clip(cx - 0.5 * w, 0.0, IMG - 17.0)
    y1 = jnp.clip(cy - 0.5 * h, 0.0, IMG - 17.0)
    x2 = jnp.minimum(x1 + w, IMG)
    y2 = jnp.minimum(y1 + h, IMG)
    proposals = jnp.stack([x1, y1, x2, y2], axis=1)
    image_shape = jnp.array([800, 800], dtype=jnp.int32)
    fdim = 512 * POOL * POOL
    W_fc6 = jax.random.normal(ks[5], (fdim, 4096), dtype=jnp.float32) * 0.005
    b_fc6 = jnp.zeros((4096,), jnp.float32)
    W_fc7 = jax.random.normal(ks[6], (4096, 4096), dtype=jnp.float32) * 0.01
    b_fc7 = jnp.zeros((4096,), jnp.float32)
    W_cls = jax.random.normal(ks[7], (4096, NUM_CLASSES), dtype=jnp.float32) * 0.01
    b_cls = jnp.zeros((NUM_CLASSES,), jnp.float32)
    W_reg = jax.random.normal(ks[8], (4096, NUM_CLASSES * 4), dtype=jnp.float32) * 0.001
    b_reg = jnp.zeros((NUM_CLASSES * 4,), jnp.float32)
    return {"feature_map": feature_map, "proposals": proposals, "image_shape": image_shape,
            "W_fc6": W_fc6, "b_fc6": b_fc6, "W_fc7": W_fc7, "b_fc7": b_fc7,
            "W_cls": W_cls, "b_cls": b_cls, "W_reg": W_reg, "b_reg": b_reg}


def _roi_pool(feature_map, proposals):
    N = proposals.shape[0]
    sb = jax.lax.stop_gradient(proposals) / STRIDE
    grid = (jnp.arange(POOL, dtype=jnp.float32) + 0.5) / POOL
    sx = sb[:, 0:1] + grid[None, :] * (sb[:, 2:3] - sb[:, 0:1])
    sy = sb[:, 1:2] + grid[None, :] * (sb[:, 3:4] - sb[:, 1:2])
    ix = jnp.clip(jnp.floor(sx), 0, FEAT_HW - 1).astype(jnp.int32)
    iy = jnp.clip(jnp.floor(sy), 0, FEAT_HW - 1).astype(jnp.int32)
    flat = (iy[:, :, None] * FEAT_HW + ix[:, None, :]).reshape(N, -1)
    feat = jnp.transpose(feature_map[0], (1, 2, 0)).reshape(FEAT_HW * FEAT_HW, -1)
    pooled = jnp.take(feat, flat, axis=0)
    pooled = jnp.transpose(pooled.reshape(N, POOL, POOL, -1), (0, 3, 1, 2)).reshape(N, -1)
    return pooled


def _head(feature_map, proposals, image_shape, W_fc6, b_fc6, W_fc7, b_fc7, W_cls, b_cls, W_reg, b_reg):
    N = proposals.shape[0]
    pooled = _roi_pool(feature_map, proposals)
    h6 = jax.nn.relu(pooled @ W_fc6 + b_fc6)
    h7 = jax.nn.relu(h6 @ W_fc7 + b_fc7)
    cls_scores = h7 @ W_cls + b_cls
    reg = (h7 @ W_reg + b_reg).reshape(N, NUM_CLASSES, 4)
    reg = reg * REG_STD + REG_MEAN
    w = proposals[:, 2] - proposals[:, 0]
    h = proposals[:, 3] - proposals[:, 1]
    ctr_x = proposals[:, 0] + 0.5 * w
    ctr_y = proposals[:, 1] + 0.5 * h
    dx = reg[..., 0]
    dy = reg[..., 1]
    dw = jnp.minimum(reg[..., 2], DW_CLAMP)
    dh = jnp.minimum(reg[..., 3], DW_CLAMP)
    pcx = dx * w[:, None] + ctr_x[:, None]
    pcy = dy * h[:, None] + ctr_y[:, None]
    pw = jnp.exp(dw) * w[:, None]
    ph = jnp.exp(dh) * h[:, None]
    boxes = jnp.stack([pcx - 0.5 * pw, pcy - 0.5 * ph, pcx + 0.5 * pw, pcy + 0.5 * ph], axis=2)
    Wimg = image_shape[-1].astype(jnp.float32)
    Himg = image_shape[-2].astype(jnp.float32)
    boxes = jnp.stack([jnp.clip(boxes[..., 0], 0.0, Wimg),
                       jnp.clip(boxes[..., 1], 0.0, Himg),
                       jnp.clip(boxes[..., 2], 0.0, Wimg),
                       jnp.clip(boxes[..., 3], 0.0, Himg)], axis=-1)
    scores = jax.nn.softmax(cls_scores, axis=-1)
    return boxes, scores


def reference(feature_map, proposals, image_shape, W_fc6, b_fc6, W_fc7, b_fc7, W_cls, b_cls, W_reg, b_reg):
    pred_boxes, pred_scores = _head(feature_map, proposals, image_shape, W_fc6, b_fc6, W_fc7, b_fc7, W_cls, b_cls, W_reg, b_reg)
    N = proposals.shape[0]
    boxes = pred_boxes[:, 1:, :].reshape(-1, 4)
    scores = pred_scores[:, 1:].reshape(-1)
    labels = jnp.tile(jnp.arange(1, NUM_CLASSES, dtype=jnp.int32), N)
    bw = boxes[:, 2] - boxes[:, 0]
    bh = boxes[:, 3] - boxes[:, 1]
    valid = (scores > SCORE_TH) & (bw >= MIN_SIZE) & (bh >= MIN_SIZE)
    masked = jnp.where(valid, scores, -jnp.inf)
    top_scores, top_idx = jax.lax.top_k(masked, PRE_NMS)
    cand_boxes = boxes[top_idx]
    cand_labels = labels[top_idx]
    off = cand_boxes + cand_labels[:, None].astype(jnp.float32) * 1000.0
    area = (off[:, 2] - off[:, 0]) * (off[:, 3] - off[:, 1])

    def body(sc, _):
        i = jnp.argmax(sc)
        b = off[i]
        xx1 = jnp.maximum(b[0], off[:, 0])
        yy1 = jnp.maximum(b[1], off[:, 1])
        xx2 = jnp.minimum(b[2], off[:, 2])
        yy2 = jnp.minimum(b[3], off[:, 3])
        inter = jnp.maximum(xx2 - xx1, 0.0) * jnp.maximum(yy2 - yy1, 0.0)
        a_b = (b[2] - b[0]) * (b[3] - b[1])
        iou = inter / (a_b + area - inter)
        s_i = sc[i]
        sc = jnp.where(iou > NMS_TH, -jnp.inf, sc)
        sc = sc.at[i].set(-jnp.inf)
        return sc, (i, s_i)

    _, (keep_idx, keep_scores) = jax.lax.scan(body, top_scores, None, length=TOP_N)
    det_boxes = cand_boxes[keep_idx]
    det_labels = cand_labels[keep_idx]
    return det_boxes, det_labels, keep_scores

if __name__ == "__main__":
    import jax
    _d = setup_inputs()
    print(jax.jit(kernel)(*tuple(_d.values())))

</pallas_src>

<mosaic_0001>
#map = affine_map<(d0, d1) -> (0, 0)>
#map1 = affine_map<(d0, d1) -> (0)>
module attributes {stable_mosaic.version = 14 : i64} {
  func.func @k(%arg0: i32, %arg1: i32, %arg2: memref<2560x512xf32, #tpu.memory_space<hbm>>, %arg3: memref<49152xi32, #tpu.memory_space<hbm>>, %arg4: memref<49152x512xf32, #tpu.memory_space<hbm>>, %arg5: memref<1536xi32, #tpu.memory_space<vmem>>, %arg6: memref<64x512xf32, #tpu.memory_space<vmem>>, %arg7: memref<!tpu.dma_semaphore, #tpu.memory_space<semaphore_mem>>) attributes {dimension_semantics = [#tpu.dimension_semantics<core_parallel>, #tpu.dimension_semantics<subcore_parallel>], iteration_bounds = array<i64: 2, 16>, scalar_prefetch = 0 : i64, scratch_operands = 3 : i64, tpu.core_type = #tpu.core_type<sc_vector_subcore>, window_params = [{transform_indices = #map}, {transform_indices = #map1}, {transform_indices = #map}]} {
    %mul3A = arith.constant 2 : i32
    %mul3A_0 = arith.muli %arg1, %mul3A : i32
    %add3A = arith.addi %mul3A_0, %arg0 : i32
    %mul3A_1 = arith.constant 1536 : i32
    %mul3A_2 = arith.muli %add3A, %mul3A_1 : i32
    "tpu.region"() ({
      %run_scoped3A = tpu.sem_alloc : memref<!tpu.dma_semaphore, #tpu.memory_space<semaphore_mem>>
      %dma_start3A = tpu.memref_slice %arg3[%mul3A_2] : memref<49152xi32, #tpu.memory_space<hbm>> -> memref<1536xi32, #tpu.memory_space<hbm>>
      %dma_start3A_7 = tpu.memref_slice %arg3[%mul3A_2] : memref<49152xi32, #tpu.memory_space<hbm>> -> memref<1536xi32, #tpu.memory_space<hbm>>
      tpu.enqueue_dma source(%dma_start3A_7 : memref<1536xi32, #tpu.memory_space<hbm>>) target(%arg5 : memref<1536xi32, #tpu.memory_space<vmem>>) target_semaphore(%run_scoped3A : memref<!tpu.dma_semaphore, #tpu.memory_space<semaphore_mem>>)
      %dma_wait3A = tpu.memref_slice %arg3[%mul3A_2] : memref<49152xi32, #tpu.memory_space<hbm>> -> memref<1536xi32, #tpu.memory_space<hbm>>
      %dma_wait3A_8 = tpu.memref_slice %arg3[%mul3A_2] : memref<49152xi32, #tpu.memory_space<hbm>> -> memref<1536xi32, #tpu.memory_space<hbm>>
      tpu.wait_dma2 semaphore(%run_scoped3A : memref<!tpu.dma_semaphore, #tpu.memory_space<semaphore_mem>>) src(%dma_wait3A_8 : memref<1536xi32, #tpu.memory_space<hbm>>) dst(%arg5 : memref<1536xi32, #tpu.memory_space<vmem>>)
      tpu.yield
    }) : () -> ()
    %scan3A = arith.constant 0 : i32
    %scan3A_3 = arith.constant 24 : i32
    %scan3A_4 = arith.addi %scan3A, %scan3A_3 : i32
    %scan3A_5 = arith.constant 1 : i32
    scf.for %scan3A_7 = %scan3A to %scan3A_4 step %scan3A_5  : i32 {
      %mul3A_8 = arith.constant 1 : i32
      %mul3A_9 = arith.muli %scan3A_7, %mul3A_8 : i32
      %add3A_10 = arith.constant 0 : i32
      %add3A_11 = arith.addi %add3A_10, %mul3A_9 : i32
      %mul3A_12 = arith.constant 64 : i32
      %mul3A_13 = arith.muli %add3A_11, %mul3A_12 : i32
      %dma_start3A = tpu.memref_slice %arg5[%mul3A_13] : memref<1536xi32, #tpu.memory_space<vmem>> -> memref<64xi32, #tpu.memory_space<vmem>>
      %dma_start3A_14 = arith.constant 0 : i32
      %dma_start3A_15 = arith.constant 0 : i32
      %dma_start3A_16 = tpu.memref_slice %arg2[%dma_start3A_14, %dma_start3A_15] : memref<2560x512xf32, #tpu.memory_space<hbm>> -> memref<2560x512xf32, #tpu.memory_space<hbm>>
      tpu.enqueue_indirect_dma source(%dma_start3A_16 : memref<2560x512xf32, #tpu.memory_space<hbm>>) target(%arg6 : memref<64x512xf32, #tpu.memory_space<vmem>>) offsets(%dma_start3A : memref<64xi32, #tpu.memory_space<vmem>>) semaphore(%arg7 : memref<!tpu.dma_semaphore, #tpu.memory_space<semaphore_mem>>)
      %dma_wait3A = tpu.memref_slice %arg5[%mul3A_13] : memref<1536xi32, #tpu.memory_space<vmem>> -> memref<64xi32, #tpu.memory_space<vmem>>
      %dma_wait3A_17 = arith.constant 0 : i32
      %dma_wait3A_18 = arith.constant 0 : i32
      %dma_wait3A_19 = tpu.memref_slice %arg2[%dma_wait3A_17, %dma_wait3A_18] : memref<2560x512xf32, #tpu.memory_space<hbm>> -> memref<2560x512xf32, #tpu.memory_space<hbm>>
      tpu.wait_indirect_dma semaphore(%arg7 : memref<!tpu.dma_semaphore, #tpu.memory_space<semaphore_mem>>) src(%dma_wait3A_19 : memref<2560x512xf32, #tpu.memory_space<hbm>>) dst(%arg6 : memref<64x512xf32, #tpu.memory_space<vmem>>)
      %mul3A_20 = arith.constant 64 : i32
      %mul3A_21 = arith.muli %add3A_11, %mul3A_20 : i32
      %add3A_22 = arith.addi %mul3A_2, %mul3A_21 : i32
      "tpu.region"() ({
        %run_scoped3A = tpu.sem_alloc : memref<!tpu.dma_semaphore, #tpu.memory_space<semaphore_mem>>
        %dma_start3A_23 = arith.constant 0 : i32
        %dma_start3A_24 = tpu.memref_slice %arg4[%add3A_22, %dma_start3A_23] : memref<49152x512xf32, #tpu.memory_space<hbm>> -> memref<64x512xf32, #tpu.memory_space<hbm>>
        %dma_start3A_25 = arith.constant 0 : i32
        %dma_start3A_26 = tpu.memref_slice %arg4[%add3A_22, %dma_start3A_25] : memref<49152x512xf32, #tpu.memory_space<hbm>> -> memref<64x512xf32, #tpu.memory_space<hbm>>
        tpu.enqueue_dma source(%arg6 : memref<64x512xf32, #tpu.memory_space<vmem>>) target(%dma_start3A_26 : memref<64x512xf32, #tpu.memory_space<hbm>>) target_semaphore(%run_scoped3A : memref<!tpu.dma_semaphore, #tpu.memory_space<semaphore_mem>>)
        %dma_wait3A_27 = arith.constant 0 : i32
        %dma_wait3A_28 = tpu.memref_slice %arg4[%add3A_22, %dma_wait3A_27] : memref<49152x512xf32, #tpu.memory_space<hbm>> -> memref<64x512xf32, #tpu.memory_space<hbm>>
        %dma_wait3A_29 = arith.constant 0 : i32
        %dma_wait3A_30 = tpu.memref_slice %arg4[%add3A_22, %dma_wait3A_29] : memref<49152x512xf32, #tpu.memory_space<hbm>> -> memref<64x512xf32, #tpu.memory_space<hbm>>
        tpu.wait_dma2 semaphore(%run_scoped3A : memref<!tpu.dma_semaphore, #tpu.memory_space<semaphore_mem>>) src(%arg6 : memref<64x512xf32, #tpu.memory_space<vmem>>) dst(%dma_wait3A_30 : memref<64x512xf32, #tpu.memory_space<hbm>>)
        tpu.yield
      }) : () -> ()
    }
    %scan3A_6 = arith.constant 24 : i32
    return
  }
}

module attributes {stable_mosaic.version = 14 : i64} {
  func.func @_idx_body(%arg0: memref<1000x4xf32, #tpu.memory_space<vmem>>, %arg1: memref<1000x128xi32, #tpu.memory_space<vmem>>) attributes {dimension_semantics = [], scalar_prefetch = 0 : i64, scratch_operands = 0 : i64, tpu.core_type = #tpu.core_type<tc>} {
    %get3A = arith.constant 0 : index
    %get3A_0 = arith.constant 0 : index
    %get3A_1 = vector.load %arg0[%get3A, %get3A_0] : memref<1000x4xf32, #tpu.memory_space<vmem>>, vector<1000x4xf32>
    %slice3A = vector.extract_strided_slice %get3A_1 {offsets = [0, 0], sizes = [1000, 1], strides = [1, 1]} : vector<1000x4xf32> to vector<1000x1xf32>
    %div3A = arith.constant 1.600000e+01 : f32
    %div3A_2 = vector.broadcast %div3A : f32 to vector<1000x1xf32>
    %div3A_3 = arith.divf %slice3A, %div3A_2 : vector<1000x1xf32>
    %slice3A_4 = vector.extract_strided_slice %get3A_1 {offsets = [0, 1], sizes = [1000, 1], strides = [1, 1]} : vector<1000x4xf32> to vector<1000x1xf32>
    %div3A_5 = arith.constant 1.600000e+01 : f32
    %div3A_6 = vector.broadcast %div3A_5 : f32 to vector<1000x1xf32>
    %div3A_7 = arith.divf %slice3A_4, %div3A_6 : vector<1000x1xf32>
    %slice3A_8 = vector.extract_strided_slice %get3A_1 {offsets = [0, 2], sizes = [1000, 1], strides = [1, 1]} : vector<1000x4xf32> to vector<1000x1xf32>
    %div3A_9 = arith.constant 1.600000e+01 : f32
    %div3A_10 = vector.broadcast %div3A_9 : f32 to vector<1000x1xf32>
    %div3A_11 = arith.divf %slice3A_8, %div3A_10 : vector<1000x1xf32>
    %slice3A_12 = vector.extract_strided_slice %get3A_1 {offsets = [0, 3], sizes = [1000, 1], strides = [1, 1]} : vector<1000x4xf32> to vector<1000x1xf32>
    %div3A_13 = arith.constant 1.600000e+01 : f32
    %div3A_14 = vector.broadcast %div3A_13 : f32 to vector<1000x1xf32>
    %div3A_15 = arith.divf %slice3A_12, %div3A_14 : vector<1000x1xf32>
    %iota3A = tpu.iota {dimensions = array<i32: 1>} : vector<1000x128xi32>
    %jit3A = arith.constant 7 : i32
    %eq3A = arith.constant 0 : i32
    %eq3A_16 = arith.cmpi eq, %jit3A, %eq3A : i32
    %jit3A_17 = arith.constant 1 : i32
    %select_n3A = arith.select %eq3A_16, %jit3A_17, %jit3A : i32
    %rem3A = vector.broadcast %select_n3A : i32 to vector<1000x128xi32>
    %rem3A_18 = arith.remsi %iota3A, %rem3A : vector<1000x128xi32>
    %ne3A = arith.constant 0 : i32
    %ne3A_19 = vector.broadcast %ne3A : i32 to vector<1000x128xi32>
    %ne3A_20 = arith.cmpi ne, %rem3A_18, %ne3A_19 : vector<1000x128xi32>
    %lt3A = arith.constant 0 : i32
    %lt3A_21 = vector.broadcast %lt3A : i32 to vector<1000x128xi32>
    %lt3A_22 = arith.cmpi slt, %rem3A_18, %lt3A_21 : vector<1000x128xi32>
    %lt3A_23 = arith.constant 0 : i32
    %lt3A_24 = arith.cmpi slt, %select_n3A, %lt3A_23 : i32
    %ne3A_25 = vector.broadcast %lt3A_24 : i1 to vector<1000x128xi1>
    %ne3A_26 = vector.broadcast %ne3A_25 : vector<1000x128xi1> to vector<1000x128xi1>
    %ne3A_27 = arith.xori %lt3A_22, %ne3A_26 : vector<1000x128xi1>
    %and3A = arith.andi %ne3A_27, %ne3A_20 : vector<1000x128xi1>
    %add3A = vector.broadcast %select_n3A : i32 to vector<1000x128xi32>
    %add3A_28 = arith.addi %rem3A_18, %add3A : vector<1000x128xi32>
    %select_n3A_29 = arith.select %and3A, %add3A_28, %rem3A_18 : vector<1000x128xi1>, vector<1000x128xi32>
    %convert_element_type3A = arith.sitofp %select_n3A_29 : vector<1000x128xi32> to vector<1000x128xf32>
    %jit3A_30 = arith.constant 7 : i32
    %div3A_31 = vector.broadcast %jit3A_30 : i32 to vector<1000x128xi32>
    %div3A_32 = arith.divsi %iota3A, %div3A_31 : vector<1000x128xi32>
    %sign3A = arith.constant 0 : i32
    %sign3A_33 = vector.broadcast %sign3A : i32 to vector<1000x128xi32>
    %sign3A_34 = arith.cmpi sgt, %iota3A, %sign3A_33 : vector<1000x128xi32>
    %sign3A_35 = arith.extui %sign3A_34 : vector<1000x128xi1> to vector<1000x128xi32>
    %sign3A_36 = arith.constant 0 : i32
    %sign3A_37 = vector.broadcast %sign3A_36 : i32 to vector<1000x128xi32>
    %sign3A_38 = arith.cmpi slt, %iota3A, %sign3A_37 : vector<1000x128xi32>
    %sign3A_39 = arith.extui %sign3A_38 : vector<1000x128xi1> to vector<1000x128xi32>
    %sign3A_40 = arith.subi %sign3A_35, %sign3A_39 : vector<1000x128xi32>
    %sign3A_41 = arith.constant 0 : i32
    %sign3A_42 = arith.cmpi sgt, %jit3A_30, %sign3A_41 : i32
    %sign3A_43 = arith.extui %sign3A_42 : i1 to i32
    %sign3A_44 = arith.constant 0 : i32
    %sign3A_45 = arith.cmpi slt, %jit3A_30, %sign3A_44 : i32
    %sign3A_46 = arith.extui %sign3A_45 : i1 to i32
    %sign3A_47 = arith.subi %sign3A_43, %sign3A_46 : i32
    %ne3A_48 = vector.broadcast %sign3A_47 : i32 to vector<1000x128xi32>
    %ne3A_49 = arith.cmpi ne, %sign3A_40, %ne3A_48 : vector<1000x128xi32>
    %rem3A_50 = vector.broadcast %jit3A_30 : i32 to vector<1000x128xi32>
    %rem3A_51 = arith.remsi %iota3A, %rem3A_50 : vector<1000x128xi32>
    %ne3A_52 = arith.constant 0 : i32
    %ne3A_53 = vector.broadcast %ne3A_52 : i32 to vector<1000x128xi32>
    %ne3A_54 = arith.cmpi ne, %rem3A_51, %ne3A_53 : vector<1000x128xi32>
    %and3A_55 = arith.andi %ne3A_49, %ne3A_54 : vector<1000x128xi1>
    %sub3A = arith.constant 1 : i32
    %sub3A_56 = vector.broadcast %sub3A : i32 to vector<1000x128xi32>
    %sub3A_57 = arith.subi %div3A_32, %sub3A_56 : vector<1000x128xi32>
    %select_n3A_58 = arith.select %and3A_55, %sub3A_57, %div3A_32 : vector<1000x128xi1>, vector<1000x128xi32>
    %convert_element_type3A_59 = arith.sitofp %select_n3A_58 : vector<1000x128xi32> to vector<1000x128xf32>
    %add3A_60 = arith.constant 5.000000e-01 : f32
    %add3A_61 = vector.broadcast %add3A_60 : f32 to vector<1000x128xf32>
    %add3A_62 = arith.addf %convert_element_type3A, %add3A_61 : vector<1000x128xf32>
    %div3A_63 = arith.constant 7.000000e+00 : f32
    %div3A_64 = vector.broadcast %div3A_63 : f32 to vector<1000x128xf32>
    %div3A_65 = arith.divf %add3A_62, %div3A_64 : vector<1000x128xf32>
    %add3A_66 = arith.constant 5.000000e-01 : f32
    %add3A_67 = vector.broadcast %add3A_66 : f32 to vector<1000x128xf32>
    %add3A_68 = arith.addf %convert_element_type3A_59, %add3A_67 : vector<1000x128xf32>
    %div3A_69 = arith.constant 7.000000e+00 : f32
    %div3A_70 = vector.broadcast %div3A_69 : f32 to vector<1000x128xf32>
    %div3A_71 = arith.divf %add3A_68, %div3A_70 : vector<1000x128xf32>
    %sub3A_72 = arith.subf %div3A_11, %div3A_3 : vector<1000x1xf32>
    %mul3A = vector.broadcast %sub3A_72 : vector<1000x1xf32> to vector<1000x128xf32>
    %mul3A_73 = arith.mulf %div3A_65, %mul3A : vector<1000x128xf32>
    %add3A_74 = vector.broadcast %div3A_3 : vector<1000x1xf32> to vector<1000x128xf32>
    %add3A_75 = arith.addf %add3A_74, %mul3A_73 : vector<1000x128xf32>
    %sub3A_76 = arith.subf %div3A_15, %div3A_7 : vector<1000x1xf32>
    %mul3A_77 = vector.broadcast %sub3A_76 : vector<1000x1xf32> to vector<1000x128xf32>
    %mul3A_78 = arith.mulf %div3A_71, %mul3A_77 : vector<1000x128xf32>
    %add3A_79 = vector.broadcast %div3A_7 : vector<1000x1xf32> to vector<1000x128xf32>
    %add3A_80 = arith.addf %add3A_79, %mul3A_78 : vector<1000x128xf32>
    %floor3A = math.floor %add3A_75 : vector<1000x128xf32>
    %jit3A_81 = arith.constant 0.000000e+00 : f32
    %jit3A_82 = arith.constant 49 : i32
    %max3A = vector.broadcast %jit3A_81 : f32 to vector<1000x128xf32>
    %max3A_83 = arith.maximumf %max3A, %floor3A : vector<1000x128xf32>
    %convert_element_type3A_84 = arith.sitofp %jit3A_82 : i32 to f32
    %min3A = vector.broadcast %convert_element_type3A_84 : f32 to vector<1000x128xf32>
    %min3A_85 = arith.minimumf %min3A, %max3A_83 : vector<1000x128xf32>
    %convert_element_type3A_86 = arith.fptosi %min3A_85 : vector<1000x128xf32> to vector<1000x128xi32>
    %floor3A_87 = math.floor %add3A_80 : vector<1000x128xf32>
    %jit3A_88 = arith.constant 0.000000e+00 : f32
    %jit3A_89 = arith.constant 49 : i32
    %max3A_90 = vector.broadcast %jit3A_88 : f32 to vector<1000x128xf32>
    %max3A_91 = arith.maximumf %max3A_90, %floor3A_87 : vector<1000x128xf32>
    %convert_element_type3A_92 = arith.sitofp %jit3A_89 : i32 to f32
    %min3A_93 = vector.broadcast %convert_element_type3A_92 : f32 to vector<1000x128xf32>
    %min3A_94 = arith.minimumf %min3A_93, %max3A_91 : vector<1000x128xf32>
    %convert_element_type3A_95 = arith.fptosi %min3A_94 : vector<1000x128xf32> to vector<1000x128xi32>
    %mul3A_96 = arith.constant 50 : i32
    %mul3A_97 = vector.broadcast %mul3A_96 : i32 to vector<1000x128xi32>
    %mul3A_98 = arith.muli %convert_element_type3A_95, %mul3A_97 : vector<1000x128xi32>
    %add3A_99 = arith.addi %mul3A_98, %convert_element_type3A_86 : vector<1000x128xi32>
    %lt3A_100 = arith.constant 49 : i32
    %lt3A_101 = vector.broadcast %lt3A_100 : i32 to vector<1000x128xi32>
    %lt3A_102 = arith.cmpi slt, %iota3A, %lt3A_101 : vector<1000x128xi32>
    %jit3A_103 = arith.constant 0 : i32
    %broadcast_in_dim3A = vector.broadcast %jit3A_103 : i32 to vector<1000x128xi32>
    %select_n3A_104 = arith.select %lt3A_102, %add3A_99, %broadcast_in_dim3A : vector<1000x128xi1>, vector<1000x128xi32>
    %swap3A = arith.constant 0 : index
    %swap3A_105 = arith.constant 0 : index
    %swap3A_106 = vector.load %arg1[%swap3A, %swap3A_105] : memref<1000x128xi32, #tpu.memory_space<vmem>>, vector<1000x128xi32>
    tpu.vector_store %arg1[%swap3A, %swap3A_105], %select_n3A_104 {strides = array<i32>} : memref<1000x128xi32, #tpu.memory_space<vmem>>, vector<1000x128xi32>,
    return
  }
}

module attributes {stable_mosaic.version = 14 : i64} {
  func.func @_tr_body(%arg0: i32, %arg1: memref<512x256xf32, #tpu.memory_space<vmem>>, %arg2: memref<256x512xf32, #tpu.memory_space<vmem>>) attributes {dimension_semantics = [#tpu.dimension_semantics<arbitrary>], iteration_bounds = array<i64: 10>, scalar_prefetch = 0 : i64, scratch_operands = 0 : i64, tpu.core_type = #tpu.core_type<tc>, window_params = [{transform_indices = @transform_0, window_bounds = array<i64: 512, 256>}, {transform_indices = @transform_1, window_bounds = array<i64: 256, 512>}]} {
    %get3A = arith.constant 0 : index
    %get3A_0 = arith.constant 0 : index
    %get3A_1 = vector.load %arg1[%get3A, %get3A_0] : memref<512x256xf32, #tpu.memory_space<vmem>>, vector<512x256xf32>
    %transpose3A = tpu.transpose %get3A_1, [1, 0] : vector<512x256xf32> -> vector<256x512xf32>
    %swap3A = arith.constant 0 : index
    %swap3A_2 = arith.constant 0 : index
    %swap3A_3 = vector.load %arg2[%swap3A, %swap3A_2] : memref<256x512xf32, #tpu.memory_space<vmem>>, vector<256x512xf32>
    tpu.vector_store %arg2[%swap3A, %swap3A_2], %transpose3A {strides = array<i32>} : memref<256x512xf32, #tpu.memory_space<vmem>>, vector<256x512xf32>,
    return
  }
  func.func @transform_0(%arg0: i32) -> (i32, i32) {
    %c0_i32 = arith.constant 0 : i32
    %c0_i32_0 = arith.constant 0 : i32
    return %c0_i32, %arg0 : i32, i32
  }
  func.func @transform_1(%arg0: i32) -> (i32, i32) {
    %c0_i32 = arith.constant 0 : i32
    %c0_i32_0 = arith.constant 0 : i32
    return %arg0, %c0_i32 : i32, i32
  }
}

module attributes {stable_mosaic.version = 14 : i64} {
  func.func @_fc6_body(%arg0: i32, %arg1: i32, %arg2: memref<1000x512xf32, #tpu.memory_space<vmem>>, %arg3: memref<1x4096xf32, #tpu.memory_space<vmem>>, %arg4: memref<512x49x4096xf32, #tpu.memory_space<any>>, %arg5: memref<1000x4096xf32, #tpu.memory_space<vmem>>, %arg6: memref<2x512x2048xf32, #tpu.memory_space<vmem>>, %arg7: memref<2x!tpu.dma_semaphore, #tpu.memory_space<semaphore_mem>>) attributes {dimension_semantics = [#tpu.dimension_semantics<arbitrary>, #tpu.dimension_semantics<arbitrary>], iteration_bounds = array<i64: 49, 2>, scalar_prefetch = 0 : i64, scratch_operands = 2 : i64, tpu.core_type = #tpu.core_type<tc>, window_params = [{transform_indices = @transform_0, window_bounds = array<i64: 1000, 512>}, {pipeline_mode = #tpu.pipeline_mode<synchronous>, transform_indices = @transform_1, window_bounds = array<i64: 1, 4096>}, {}, {pipeline_mode = #tpu.pipeline_mode<synchronous>, transform_indices = @transform_3, window_bounds = array<i64: 1000, 4096>}]} {
    %mul3A = arith.constant 2 : i32
    %mul3A_0 = arith.muli %arg0, %mul3A : i32
    %add3A = arith.addi %mul3A_0, %arg1 : i32
    %eq3A = arith.constant 0 : i32
    %eq3A_1 = arith.cmpi eq, %add3A, %eq3A : i32
    %convert_element_type3A = arith.extui %eq3A_1 : i1 to i32
    %cond3A = arith.constant 0 : i32
    %cond3A_2 = arith.cmpi ne, %convert_element_type3A, %cond3A : i32
    scf.if %cond3A_2 {
      %mul3A_54 = arith.constant 2048 : i32
      %mul3A_55 = arith.muli %arg1, %mul3A_54 : i32
      %dma_start3A = arith.constant 0 : i32
      %dma_start3A_56 = arith.constant 0 : i32
      %dma_start3A_57 = tpu.memref_slice %arg7[%dma_start3A_56] : memref<2x!tpu.dma_semaphore, #tpu.memory_space<semaphore_mem>> -> memref<1x!tpu.dma_semaphore, #tpu.memory_space<semaphore_mem>>
      %dma_start3A_58 = tpu.memref_squeeze %dma_start3A_57 : memref<1x!tpu.dma_semaphore, #tpu.memory_space<semaphore_mem>> -> memref<!tpu.dma_semaphore, #tpu.memory_space<semaphore_mem>>
      %dma_start3A_59 = arith.constant 0 : i32
      %dma_start3A_60 = arith.constant 0 : i32
      %dma_start3A_61 = tpu.memref_slice %arg6[%dma_start3A, %dma_start3A_59, %dma_start3A_60] : memref<2x512x2048xf32, #tpu.memory_space<vmem>> -> memref<1x512x2048xf32, #tpu.memory_space<vmem>>
      %dma_start3A_62 = tpu.memref_squeeze %dma_start3A_61 : memref<1x512x2048xf32, #tpu.memory_space<vmem>> -> memref<512x2048xf32, #tpu.memory_space<vmem>>
      %dma_start3A_63 = arith.constant 0 : i32
      %dma_start3A_64 = tpu.memref_slice %arg4[%dma_start3A_63, %arg0, %mul3A_55] : memref<512x49x4096xf32, #tpu.memory_space<any>> -> memref<512x1x2048xf32, #tpu.memory_space<any>>
      %dma_start3A_65 = tpu.memref_squeeze %dma_start3A_64 : memref<512x1x2048xf32, #tpu.memory_space<any>> -> memref<512x2048xf32, #tpu.memory_space<any>>
      tpu.enqueue_dma source(%dma_start3A_65 : memref<512x2048xf32, #tpu.memory_space<any>>) target(%dma_start3A_62 : memref<512x2048xf32, #tpu.memory_space<vmem>>) target_semaphore(%dma_start3A_58 : memref<!tpu.dma_semaphore, #tpu.memory_space<semaphore_mem>>)
    } else {
    }
    %add3A_3 = arith.constant 1 : i32
    %add3A_4 = arith.addi %add3A, %add3A_3 : i32
    %lt3A = arith.constant 98 : i32
    %lt3A_5 = arith.cmpi slt, %add3A_4, %lt3A : i32
    %convert_element_type3A_6 = arith.extui %lt3A_5 : i1 to i32
    %cond3A_7 = arith.constant 0 : i32
    %cond3A_8 = arith.cmpi ne, %convert_element_type3A_6, %cond3A_7 : i32
    scf.if %cond3A_8 {
      %add3A_54 = arith.constant 1 : i32
      %add3A_55 = arith.addi %arg1, %add3A_54 : i32
      %lt3A_56 = arith.constant 2 : i32
      %lt3A_57 = arith.cmpi slt, %add3A_55, %lt3A_56 : i32
      %add3A_58 = arith.constant 1 : i32
      %add3A_59 = arith.addi %arg1, %add3A_58 : i32
      %jit3A_60 = arith.constant 0 : i32
      %select_n3A_61 = arith.select %lt3A_57, %add3A_59, %jit3A_60 : i32
      %add3A_62 = arith.constant 1 : i32
      %add3A_63 = arith.addi %arg1, %add3A_62 : i32
      %lt3A_64 = arith.constant 2 : i32
      %lt3A_65 = arith.cmpi slt, %add3A_63, %lt3A_64 : i32
      %add3A_66 = arith.constant 1 : i32
      %add3A_67 = arith.addi %arg0, %add3A_66 : i32
      %select_n3A_68 = arith.select %lt3A_65, %arg0, %add3A_67 : i32
      %mul3A_69 = arith.constant 2048 : i32
      %mul3A_70 = arith.muli %select_n3A_61, %mul3A_69 : i32
      %add3A_71 = arith.constant 1 : i32
      %add3A_72 = arith.addi %add3A, %add3A_71 : i32
      %jit3A_73 = arith.constant 2 : i32
      %eq3A_74 = arith.constant 0 : i32
      %eq3A_75 = arith.cmpi eq, %jit3A_73, %eq3A_74 : i32
      %jit3A_76 = arith.constant 1 : i32
      %select_n3A_77 = arith.select %eq3A_75, %jit3A_76, %jit3A_73 : i32
      %rem3A_78 = arith.remsi %add3A_72, %select_n3A_77 : i32
      %ne3A_79 = arith.constant 0 : i32
      %ne3A_80 = arith.cmpi ne, %rem3A_78, %ne3A_79 : i32
      %lt3A_81 = arith.constant 0 : i32
      %lt3A_82 = arith.cmpi slt, %rem3A_78, %lt3A_81 : i32
      %lt3A_83 = arith.constant 0 : i32
      %lt3A_84 = arith.cmpi slt, %select_n3A_77, %lt3A_83 : i32
      %ne3A_85 = arith.xori %lt3A_82, %lt3A_84 : i1
      %and3A_86 = arith.andi %ne3A_85, %ne3A_80 : i1
      %add3A_87 = arith.addi %rem3A_78, %select_n3A_77 : i32
      %select_n3A_88 = arith.select %and3A_86, %add3A_87, %rem3A_78 : i32
      %add3A_89 = arith.constant 1 : i32
      %add3A_90 = arith.addi %add3A, %add3A_89 : i32
      %jit3A_91 = arith.constant 2 : i32
      %eq3A_92 = arith.constant 0 : i32
      %eq3A_93 = arith.cmpi eq, %jit3A_91, %eq3A_92 : i32
      %jit3A_94 = arith.constant 1 : i32
      %select_n3A_95 = arith.select %eq3A_93, %jit3A_94, %jit3A_91 : i32
      %rem3A_96 = arith.remsi %add3A_90, %select_n3A_95 : i32
      %ne3A_97 = arith.constant 0 : i32
      %ne3A_98 = arith.cmpi ne, %rem3A_96, %ne3A_97 : i32
      %lt3A_99 = arith.constant 0 : i32
      %lt3A_100 = arith.cmpi slt, %rem3A_96, %lt3A_99 : i32
      %lt3A_101 = arith.constant 0 : i32
      %lt3A_102 = arith.cmpi slt, %select_n3A_95, %lt3A_101 : i32
      %ne3A_103 = arith.xori %lt3A_100, %lt3A_102 : i1
      %and3A_104 = arith.andi %ne3A_103, %ne3A_98 : i1
      %add3A_105 = arith.addi %rem3A_96, %select_n3A_95 : i32
      %select_n3A_106 = arith.select %and3A_104, %add3A_105, %rem3A_96 : i32
      %dma_start3A = tpu.memref_slice %arg7[%select_n3A_106] : memref<2x!tpu.dma_semaphore, #tpu.memory_space<semaphore_mem>> -> memref<1x!tpu.dma_semaphore, #tpu.memory_space<semaphore_mem>>
      %dma_start3A_107 = tpu.memref_squeeze %dma_start3A : memref<1x!tpu.dma_semaphore, #tpu.memory_space<semaphore_mem>> -> memref<!tpu.dma_semaphore, #tpu.memory_space<semaphore_mem>>
      %dma_start3A_108 = arith.constant 0 : i32
      %dma_start3A_109 = arith.constant 0 : i32
      %dma_start3A_110 = tpu.memref_slice %arg6[%select_n3A_88, %dma_start3A_108, %dma_start3A_109] : memref<2x512x2048xf32, #tpu.memory_space<vmem>> -> memref<1x512x2048xf32, #tpu.memory_space<vmem>>
      %dma_start3A_111 = tpu.memref_squeeze %dma_start3A_110 : memref<1x512x2048xf32, #tpu.memory_space<vmem>> -> memref<512x2048xf32, #tpu.memory_space<vmem>>
      %dma_start3A_112 = arith.constant 0 : i32
      %dma_start3A_113 = tpu.memref_slice %arg4[%dma_start3A_112, %select_n3A_68, %mul3A_70] : memref<512x49x4096xf32, #tpu.memory_space<any>> -> memref<512x1x2048xf32, #tpu.memory_space<any>>
      %dma_start3A_114 = tpu.memref_squeeze %dma_start3A_113 : memref<512x1x2048xf32, #tpu.memory_space<any>> -> memref<512x2048xf32, #tpu.memory_space<any>>
      tpu.enqueue_dma source(%dma_start3A_114 : memref<512x2048xf32, #tpu.memory_space<any>>) target(%dma_start3A_111 : memref<512x2048xf32, #tpu.memory_space<vmem>>) target_semaphore(%dma_start3A_107 : memref<!tpu.dma_semaphore, #tpu.memory_space<semaphore_mem>>)
    } else {
    }
    %jit3A = arith.constant 2 : i32
    %eq3A_9 = arith.constant 0 : i32
    %eq3A_10 = arith.cmpi eq, %jit3A, %eq3A_9 : i32
    %jit3A_11 = arith.constant 1 : i32
    %select_n3A = arith.select %eq3A_10, %jit3A_11, %jit3A : i32
    %rem3A = arith.remsi %add3A, %select_n3A : i32
    %ne3A = arith.constant 0 : i32
    %ne3A_12 = arith.cmpi ne, %rem3A, %ne3A : i32
    %lt3A_13 = arith.constant 0 : i32
    %lt3A_14 = arith.cmpi slt, %rem3A, %lt3A_13 : i32
    %lt3A_15 = arith.constant 0 : i32
    %lt3A_16 = arith.cmpi slt, %select_n3A, %lt3A_15 : i32
    %ne3A_17 = arith.xori %lt3A_14, %lt3A_16 : i1
    %and3A = arith.andi %ne3A_17, %ne3A_12 : i1
    %add3A_18 = arith.addi %rem3A, %select_n3A : i32
    %select_n3A_19 = arith.select %and3A, %add3A_18, %rem3A : i32
    %mul3A_20 = arith.constant 2048 : i32
    %mul3A_21 = arith.muli %arg1, %mul3A_20 : i32
    %dma_wait3A = tpu.memref_slice %arg7[%select_n3A_19] : memref<2x!tpu.dma_semaphore, #tpu.memory_space<semaphore_mem>> -> memref<1x!tpu.dma_semaphore, #tpu.memory_space<semaphore_mem>>
    %dma_wait3A_22 = tpu.memref_squeeze %dma_wait3A : memref<1x!tpu.dma_semaphore, #tpu.memory_space<semaphore_mem>> -> memref<!tpu.dma_semaphore, #tpu.memory_space<semaphore_mem>>
    %dma_wait3A_23 = arith.constant 0 : i32
    %dma_wait3A_24 = arith.constant 0 : i32
    %dma_wait3A_25 = tpu.memref_slice %arg6[%select_n3A_19, %dma_wait3A_23, %dma_wait3A_24] : memref<2x512x2048xf32, #tpu.memory_space<vmem>> -> memref<1x512x2048xf32, #tpu.memory_space<vmem>>
    %dma_wait3A_26 = tpu.memref_squeeze %dma_wait3A_25 : memref<1x512x2048xf32, #tpu.memory_space<vmem>> -> memref<512x2048xf32, #tpu.memory_space<vmem>>
    %dma_wait3A_27 = arith.constant 0 : i32
    %dma_wait3A_28 = tpu.memref_slice %arg4[%dma_wait3A_27, %arg0, %mul3A_21] : memref<512x49x4096xf32, #tpu.memory_space<any>> -> memref<512x1x2048xf32, #tpu.memory_space<any>>
    %dma_wait3A_29 = tpu.memref_squeeze %dma_wait3A_28 : memref<512x1x2048xf32, #tpu.memory_space<any>> -> memref<512x2048xf32, #tpu.memory_space<any>>
    tpu.wait_dma2 semaphore(%dma_wait3A_22 : memref<!tpu.dma_semaphore, #tpu.memory_space<semaphore_mem>>) src(%dma_wait3A_29 : memref<512x2048xf32, #tpu.memory_space<any>>) dst(%dma_wait3A_26 : memref<512x2048xf32, #tpu.memory_space<vmem>>)
    %get3A = arith.constant 0 : index
    %get3A_30 = arith.constant 0 : index
    %get3A_31 = vector.load %arg2[%get3A, %get3A_30] : memref<1000x512xf32, #tpu.memory_space<vmem>>, vector<1000x512xf32>
    %get3A_32 = arith.index_cast %select_n3A_19 : i32 to index
    %get3A_33 = arith.constant 0 : index
    %get3A_34 = arith.constant 0 : index
    %get3A_35 = vector.load %arg6[%get3A_32, %get3A_33, %get3A_34] : memref<2x512x2048xf32, #tpu.memory_space<vmem>>, vector<1x512x2048xf32>
    %get3A_36 = vector.shape_cast %get3A_35 : vector<1x512x2048xf32> to vector<512x2048xf32>
    %dot_general3A = arith.constant dense<0.000000e+00> : vector<1000x2048xf32>
    %dot_general3A_37 = tpu.matmul %get3A_31, %get3A_36, %dot_general3A {dimension_numbers = #tpu.dot_dimension_numbers<[1], [0], [0], [1], [0, 0, 1, 1], [], []>, transpose_lhs_hint = false} : vector<1000x512xf32>, vector<512x2048xf32>, vector<1000x2048xf32> -> vector<1000x2048xf32>
    %mul3A_38 = arith.constant 2048 : i32
    %mul3A_39 = arith.muli %arg1, %mul3A_38 : i32
    %eq3A_40 = arith.constant 0 : i32
    %eq3A_41 = arith.cmpi eq, %arg0, %eq3A_40 : i32
    %convert_element_type3A_42 = arith.extui %eq3A_41 : i1 to i32
    %cond3A_43 = arith.constant 0 : i32
    %cond3A_44 = arith.cmpi ne, %convert_element_type3A_42, %cond3A_43 : i32
    scf.if %cond3A_44 {
      %swap3A = arith.constant 0 : index
      %swap3A_54 = arith.index_cast %mul3A_39 : i32 to index
      %swap3A_55 = vector.load %arg5[%swap3A, %swap3A_54] : memref<1000x4096xf32, #tpu.memory_space<vmem>>, vector<1000x2048xf32>
      tpu.vector_store %arg5[%swap3A, %swap3A_54], %dot_general3A_37 {strides = array<i32>} : memref<1000x4096xf32, #tpu.memory_space<vmem>>, vector<1000x2048xf32>,
    } else {
    }
    %gt3A = arith.constant 0 : i32
    %gt3A_45 = arith.cmpi sgt, %arg0, %gt3A : i32
    %convert_element_type3A_46 = arith.extui %gt3A_45 : i1 to i32
    %cond3A_47 = arith.constant 0 : i32
    %cond3A_48 = arith.cmpi ne, %convert_element_type3A_46, %cond3A_47 : i32
    scf.if %cond3A_48 {
      %get3A_54 = arith.constant 0 : index
      %get3A_55 = arith.index_cast %mul3A_39 : i32 to index
      %get3A_56 = vector.load %arg5[%get3A_54, %get3A_55] : memref<1000x4096xf32, #tpu.memory_space<vmem>>, vector<1000x2048xf32>
      %add3A_57 = arith.addf %get3A_56, %dot_general3A_37 : vector<1000x2048xf32>
      %swap3A = arith.constant 0 : index
      %swap3A_58 = arith.index_cast %mul3A_39 : i32 to index
      %swap3A_59 = vector.load %arg5[%swap3A, %swap3A_58] : memref<1000x4096xf32, #tpu.memory_space<vmem>>, vector<1000x2048xf32>
      tpu.vector_store %arg5[%swap3A, %swap3A_58], %add3A_57 {strides = array<i32>} : memref<1000x4096xf32, #tpu.memory_space<vmem>>, vector<1000x2048xf32>,
    } else {
    }
    %eq3A_49 = arith.constant 48 : i32
    %eq3A_50 = arith.cmpi eq, %arg0, %eq3A_49 : i32
    %convert_element_type3A_51 = arith.extui %eq3A_50 : i1 to i32
    %cond3A_52 = arith.constant 0 : i32
    %cond3A_53 = arith.cmpi ne, %convert_element_type3A_51, %cond3A_52 : i32
    scf.if %cond3A_53 {
      %get3A_54 = arith.constant 0 : index
      %get3A_55 = arith.index_cast %mul3A_39 : i32 to index
      %get3A_56 = vector.load %arg5[%get3A_54, %get3A_55] : memref<1000x4096xf32, #tpu.memory_space<vmem>>, vector<1000x2048xf32>
      %get3A_57 = arith.constant 0 : index
      %get3A_58 = arith.index_cast %mul3A_39 : i32 to index
      %get3A_59 = vector.load %arg3[%get3A_57, %get3A_58] : memref<1x4096xf32, #tpu.memory_space<vmem>>, vector<1x2048xf32>
      %add3A_60 = vector.broadcast %get3A_59 : vector<1x2048xf32> to vector<1000x2048xf32>
      %add3A_61 = arith.addf %get3A_56, %add3A_60 : vector<1000x2048xf32>
      %max3A = arith.constant 0.000000e+00 : f32
      %max3A_62 = vector.broadcast %max3A : f32 to vector<1000x2048xf32>
      %max3A_63 = arith.maximumf %add3A_61, %max3A_62 : vector<1000x2048xf32>
      %swap3A = arith.constant 0 : index
      %swap3A_64 = arith.index_cast %mul3A_39 : i32 to index
      %swap3A_65 = vector.load %arg5[%swap3A, %swap3A_64] : memref<1000x4096xf32, #tpu.memory_space<vmem>>, vector<1000x2048xf32>
      tpu.vector_store %arg5[%swap3A, %swap3A_64], %max3A_63 {strides = array<i32>} : memref<1000x4096xf32, #tpu.memory_space<vmem>>, vector<1000x2048xf32>,
    } else {
    }
    return
  }
  func.func @transform_0(%arg0: i32, %arg1: i32) -> (i32, i32) {
    %c0_i32 = arith.constant 0 : i32
    %c0_i32_0 = arith.constant 0 : i32
    return %arg0, %c0_i32 : i32, i32
  }
  func.func @transform_1(%arg0: i32, %arg1: i32) -> (i32, i32) {
    %c0_i32 = arith.constant 0 : i32
    %c0_i32_0 = arith.constant 0 : i32
    %c0_i32_1 = arith.constant 0 : i32
    return %c0_i32, %c0_i32_0 : i32, i32
  }
  func.func @transform_3(%arg0: i32, %arg1: i32) -> (i32, i32) {
    %c0_i32 = arith.constant 0 : i32
    %c0_i32_0 = arith.constant 0 : i32
    %c0_i32_1 = arith.constant 0 : i32
    return %c0_i32, %c0_i32_0 : i32, i32
  }
}

module attributes {stable_mosaic.version = 14 : i64} {
  func.func @_fc7_body(%arg0: i32, %arg1: i32, %arg2: memref<1000x4096xf32, #tpu.memory_space<vmem>>, %arg3: memref<512x2048xf32, #tpu.memory_space<vmem>>, %arg4: memref<1x4096xf32, #tpu.memory_space<vmem>>, %arg5: memref<1000x4096xf32, #tpu.memory_space<vmem>>) attributes {dimension_semantics = [#tpu.dimension_semantics<arbitrary>, #tpu.dimension_semantics<arbitrary>], iteration_bounds = array<i64: 2, 8>, scalar_prefetch = 0 : i64, scratch_operands = 0 : i64, tpu.core_type = #tpu.core_type<tc>, window_params = [{pipeline_mode = #tpu.pipeline_mode<synchronous>, transform_indices = @transform_0, window_bounds = array<i64: 1000, 4096>}, {transform_indices = @transform_1, window_bounds = array<i64: 512, 2048>}, {pipeline_mode = #tpu.pipeline_mode<synchronous>, transform_indices = @transform_2, window_bounds = array<i64: 1, 4096>}, {pipeline_mode = #tpu.pipeline_mode<synchronous>, transform_indices = @transform_3, window_bounds = array<i64: 1000, 4096>}]} {
    %mul3A = arith.constant 512 : i32
    %mul3A_0 = arith.muli %arg1, %mul3A : i32
    %get3A = arith.constant 0 : index
    %get3A_1 = arith.index_cast %mul3A_0 : i32 to index
    %get3A_2 = vector.load %arg2[%get3A, %get3A_1] : memref<1000x4096xf32, #tpu.memory_space<vmem>>, vector<1000x512xf32>
    %get3A_3 = arith.constant 0 : index
    %get3A_4 = arith.constant 0 : index
    %get3A_5 = vector.load %arg3[%get3A_3, %get3A_4] : memref<512x2048xf32, #tpu.memory_space<vmem>>, vector<512x2048xf32>
    %dot_general3A = arith.constant dense<0.000000e+00> : vector<1000x2048xf32>
    %dot_general3A_6 = tpu.matmul %get3A_2, %get3A_5, %dot_general3A {dimension_numbers = #tpu.dot_dimension_numbers<[1], [0], [0], [1], [0, 0, 1, 1], [], []>, transpose_lhs_hint = false} : vector<1000x512xf32>, vector<512x2048xf32>, vector<1000x2048xf32> -> vector<1000x2048xf32>
    %mul3A_7 = arith.constant 2048 : i32
    %mul3A_8 = arith.muli %arg0, %mul3A_7 : i32
    %eq3A = arith.constant 0 : i32
    %eq3A_9 = arith.cmpi eq, %arg1, %eq3A : i32
    %convert_element_type3A = arith.extui %eq3A_9 : i1 to i32
    %cond3A = arith.constant 0 : i32
    %cond3A_10 = arith.cmpi ne, %convert_element_type3A, %cond3A : i32
    scf.if %cond3A_10 {
      %swap3A = arith.constant 0 : index
      %swap3A_20 = arith.index_cast %mul3A_8 : i32 to index
      %swap3A_21 = vector.load %arg5[%swap3A, %swap3A_20] : memref<1000x4096xf32, #tpu.memory_space<vmem>>, vector<1000x2048xf32>
      tpu.vector_store %arg5[%swap3A, %swap3A_20], %dot_general3A_6 {strides = array<i32>} : memref<1000x4096xf32, #tpu.memory_space<vmem>>, vector<1000x2048xf32>,
    } else {
    }
    %gt3A = arith.constant 0 : i32
    %gt3A_11 = arith.cmpi sgt, %arg1, %gt3A : i32
    %convert_element_type3A_12 = arith.extui %gt3A_11 : i1 to i32
    %cond3A_13 = arith.constant 0 : i32
    %cond3A_14 = arith.cmpi ne, %convert_element_type3A_12, %cond3A_13 : i32
    scf.if %cond3A_14 {
      %get3A_20 = arith.constant 0 : index
      %get3A_21 = arith.index_cast %mul3A_8 : i32 to index
      %get3A_22 = vector.load %arg5[%get3A_20, %get3A_21] : memref<1000x4096xf32, #tpu.memory_space<vmem>>, vector<1000x2048xf32>
      %add3A = arith.addf %get3A_22, %dot_general3A_6 : vector<1000x2048xf32>
      %swap3A = arith.constant 0 : index
      %swap3A_23 = arith.index_cast %mul3A_8 : i32 to index
      %swap3A_24 = vector.load %arg5[%swap3A, %swap3A_23] : memref<1000x4096xf32, #tpu.memory_space<vmem>>, vector<1000x2048xf32>
      tpu.vector_store %arg5[%swap3A, %swap3A_23], %add3A {strides = array<i32>} : memref<1000x4096xf32, #tpu.memory_space<vmem>>, vector<1000x2048xf32>,
    } else {
    }
    %eq3A_15 = arith.constant 7 : i32
    %eq3A_16 = arith.cmpi eq, %arg1, %eq3A_15 : i32
    %convert_element_type3A_17 = arith.extui %eq3A_16 : i1 to i32
    %cond3A_18 = arith.constant 0 : i32
    %cond3A_19 = arith.cmpi ne, %convert_element_type3A_17, %cond3A_18 : i32
    scf.if %cond3A_19 {
      %get3A_20 = arith.constant 0 : index
      %get3A_21 = arith.index_cast %mul3A_8 : i32 to index
      %get3A_22 = vector.load %arg5[%get3A_20, %get3A_21] : memref<1000x4096xf32, #tpu.memory_space<vmem>>, vector<1000x2048xf32>
      %get3A_23 = arith.constant 0 : index
      %get3A_24 = arith.index_cast %mul3A_8 : i32 to index
      %get3A_25 = vector.load %arg4[%get3A_23, %get3A_24] : memref<1x4096xf32, #tpu.memory_space<vmem>>, vector<1x2048xf32>
      %add3A = vector.broadcast %get3A_25 : vector<1x2048xf32> to vector<1000x2048xf32>
      %add3A_26 = arith.addf %get3A_22, %add3A : vector<1000x2048xf32>
      %max3A = arith.constant 0.000000e+00 : f32
      %max3A_27 = vector.broadcast %max3A : f32 to vector<1000x2048xf32>
      %max3A_28 = arith.maximumf %add3A_26, %max3A_27 : vector<1000x2048xf32>
      %swap3A = arith.constant 0 : index
      %swap3A_29 = arith.index_cast %mul3A_8 : i32 to index
      %swap3A_30 = vector.load %arg5[%swap3A, %swap3A_29] : memref<1000x4096xf32, #tpu.memory_space<vmem>>, vector<1000x2048xf32>
      tpu.vector_store %arg5[%swap3A, %swap3A_29], %max3A_28 {strides = array<i32>} : memref<1000x4096xf32, #tpu.memory_space<vmem>>, vector<1000x2048xf32>,
    } else {
    }
    return
  }
  func.func @transform_0(%arg0: i32, %arg1: i32) -> (i32, i32) {
    %c0_i32 = arith.constant 0 : i32
    %c0_i32_0 = arith.constant 0 : i32
    %c0_i32_1 = arith.constant 0 : i32
    return %c0_i32, %c0_i32_0 : i32, i32
  }
  func.func @transform_1(%arg0: i32, %arg1: i32) -> (i32, i32) {
    %c0_i32 = arith.constant 0 : i32
    return %arg1, %arg0 : i32, i32
  }
  func.func @transform_2(%arg0: i32, %arg1: i32) -> (i32, i32) {
    %c0_i32 = arith.constant 0 : i32
    %c0_i32_0 = arith.constant 0 : i32
    %c0_i32_1 = arith.constant 0 : i32
    return %c0_i32, %c0_i32_0 : i32, i32
  }
  func.func @transform_3(%arg0: i32, %arg1: i32) -> (i32, i32) {
    %c0_i32 = arith.constant 0 : i32
    %c0_i32_0 = arith.constant 0 : i32
    %c0_i32_1 = arith.constant 0 : i32
    return %c0_i32, %c0_i32_0 : i32, i32
  }
}

module attributes {stable_mosaic.version = 14 : i64} {
  func.func @_decode_body(%arg0: memref<1000x4096xf32, #tpu.memory_space<vmem>>, %arg1: memref<4096x128xf32, #tpu.memory_space<vmem>>, %arg2: memref<1x128xf32, #tpu.memory_space<vmem>>, %arg3: memref<1000x4xf32, #tpu.memory_space<vmem>>, %arg4: memref<1x2xf32, #tpu.memory_space<vmem>>, %arg5: memref<1000x128xf32, #tpu.memory_space<vmem>>, %arg6: memref<1000x128xf32, #tpu.memory_space<vmem>>, %arg7: memref<1000x128xf32, #tpu.memory_space<vmem>>, %arg8: memref<1000x128xf32, #tpu.memory_space<vmem>>, %arg9: memref<1000x128xf32, #tpu.memory_space<vmem>>) attributes {dimension_semantics = [], scalar_prefetch = 0 : i64, scratch_operands = 0 : i64, tpu.core_type = #tpu.core_type<tc>} {
    %get3A = arith.constant 0 : index
    %get3A_0 = arith.constant 0 : index
    %get3A_1 = vector.load %arg0[%get3A, %get3A_0] : memref<1000x4096xf32, #tpu.memory_space<vmem>>, vector<1000x4096xf32>
    %get3A_2 = arith.constant 0 : index
    %get3A_3 = arith.constant 0 : index
    %get3A_4 = vector.load %arg1[%get3A_2, %get3A_3] : memref<4096x128xf32, #tpu.memory_space<vmem>>, vector<4096x128xf32>
    %dot_general3A = arith.constant dense<0.000000e+00> : vector<1000x128xf32>
    %dot_general3A_5 = tpu.matmul %get3A_1, %get3A_4, %dot_general3A {dimension_numbers = #tpu.dot_dimension_numbers<[1], [0], [0], [1], [0, 0, 1, 1], [], []>, transpose_lhs_hint = false} : vector<1000x4096xf32>, vector<4096x128xf32>, vector<1000x128xf32> -> vector<1000x128xf32>
    %get3A_6 = arith.constant 0 : index
    %get3A_7 = arith.constant 0 : index
    %get3A_8 = vector.load %arg2[%get3A_6, %get3A_7] : memref<1x128xf32, #tpu.memory_space<vmem>>, vector<1x128xf32>
    %add3A = vector.broadcast %get3A_8 : vector<1x128xf32> to vector<1000x128xf32>
    %add3A_9 = arith.addf %dot_general3A_5, %add3A : vector<1000x128xf32>
    %iota3A = tpu.iota {dimensions = array<i32: 1>} : vector<1000x128xi32>
    %lt3A = arith.constant 21 : i32
    %lt3A_10 = vector.broadcast %lt3A : i32 to vector<1000x128xi32>
    %lt3A_11 = arith.cmpi slt, %iota3A, %lt3A_10 : vector<1000x128xi32>
    %jit3A = arith.constant 0xFF800000 : f32
    %broadcast_in_dim3A = vector.broadcast %jit3A : f32 to vector<1000x128xf32>
    %select_n3A = arith.select %lt3A_11, %add3A_9, %broadcast_in_dim3A : vector<1000x128xi1>, vector<1000x128xf32>
    %reduce_max3A = arith.constant dense<0xFF800000> : vector<1000xf32>
    %reduce_max3A_12 = vector.multi_reduction <maximumf>, %select_n3A, %reduce_max3A [1] : vector<1000x128xf32> to vector<1000xf32>
    %broadcast_in_dim3A_13 = vector.shape_cast %reduce_max3A_12 : vector<1000xf32> to vector<1000x1xf32>
    %sub3A = vector.broadcast %broadcast_in_dim3A_13 : vector<1000x1xf32> to vector<1000x128xf32>
    %sub3A_14 = arith.subf %add3A_9, %sub3A : vector<1000x128xf32>
    %exp3A = math.exp %sub3A_14 : vector<1000x128xf32>
    %jit3A_15 = arith.constant 0.000000e+00 : f32
    %broadcast_in_dim3A_16 = vector.broadcast %jit3A_15 : f32 to vector<1000x128xf32>
    %select_n3A_17 = arith.select %lt3A_11, %exp3A, %broadcast_in_dim3A_16 : vector<1000x128xi1>, vector<1000x128xf32>
    %reduce_sum3A = arith.constant dense<0.000000e+00> : vector<1000xf32>
    %reduce_sum3A_18 = vector.multi_reduction <add>, %select_n3A_17, %reduce_sum3A [1] : vector<1000x128xf32> to vector<1000xf32>
    %broadcast_in_dim3A_19 = vector.shape_cast %reduce_sum3A_18 : vector<1000xf32> to vector<1000x1xf32>
    %div3A = vector.broadcast %broadcast_in_dim3A_19 : vector<1000x1xf32> to vector<1000x128xf32>
    %div3A_20 = arith.divf %exp3A, %div3A : vector<1000x128xf32>
    %swap3A = arith.constant 0 : index
    %swap3A_21 = arith.constant 0 : index
    %swap3A_22 = vector.load %arg5[%swap3A, %swap3A_21] : memref<1000x128xf32, #tpu.memory_space<vmem>>, vector<1000x128xf32>
    tpu.vector_store %arg5[%swap3A, %swap3A_21], %div3A_20 {strides = array<i32>} : memref<1000x128xf32, #tpu.memory_space<vmem>>, vector<1000x128xf32>,
    %sub3A_23 = arith.constant 21 : i32
    %sub3A_24 = vector.broadcast %sub3A_23 : i32 to vector<1000x128xi32>
    %sub3A_25 = arith.subi %iota3A, %sub3A_24 : vector<1000x128xi32>
    %jit3A_26 = arith.constant 4 : i32
    %eq3A = arith.constant 0 : i32
    %eq3A_27 = arith.cmpi eq, %jit3A_26, %eq3A : i32
    %jit3A_28 = arith.constant 1 : i32
    %select_n3A_29 = arith.select %eq3A_27, %jit3A_28, %jit3A_26 : i32
    %rem3A = vector.broadcast %select_n3A_29 : i32 to vector<1000x128xi32>
    %rem3A_30 = arith.remsi %sub3A_25, %rem3A : vector<1000x128xi32>
    %ne3A = arith.constant 0 : i32
    %ne3A_31 = vector.broadcast %ne3A : i32 to vector<1000x128xi32>
    %ne3A_32 = arith.cmpi ne, %rem3A_30, %ne3A_31 : vector<1000x128xi32>
    %lt3A_33 = arith.constant 0 : i32
    %lt3A_34 = vector.broadcast %lt3A_33 : i32 to vector<1000x128xi32>
    %lt3A_35 = arith.cmpi slt, %rem3A_30, %lt3A_34 : vector<1000x128xi32>
    %lt3A_36 = arith.constant 0 : i32
    %lt3A_37 = arith.cmpi slt, %select_n3A_29, %lt3A_36 : i32
    %ne3A_38 = vector.broadcast %lt3A_37 : i1 to vector<1000x128xi1>
    %ne3A_39 = vector.broadcast %ne3A_38 : vector<1000x128xi1> to vector<1000x128xi1>
    %ne3A_40 = arith.xori %lt3A_35, %ne3A_39 : vector<1000x128xi1>
    %and3A = arith.andi %ne3A_40, %ne3A_32 : vector<1000x128xi1>
    %add3A_41 = vector.broadcast %select_n3A_29 : i32 to vector<1000x128xi32>
    %add3A_42 = arith.addi %rem3A_30, %add3A_41 : vector<1000x128xi32>
    %select_n3A_43 = arith.select %and3A, %add3A_42, %rem3A_30 : vector<1000x128xi1>, vector<1000x128xi32>
    %lt3A_44 = arith.constant 2 : i32
    %lt3A_45 = vector.broadcast %lt3A_44 : i32 to vector<1000x128xi32>
    %lt3A_46 = arith.cmpi slt, %select_n3A_43, %lt3A_45 : vector<1000x128xi32>
    %jit3A_47 = arith.constant 1.000000e-01 : f32
    %jit3A_48 = arith.constant 2.000000e-01 : f32
    %broadcast_in_dim3A_49 = vector.broadcast %jit3A_47 : f32 to vector<1000x128xf32>
    %broadcast_in_dim3A_50 = vector.broadcast %jit3A_48 : f32 to vector<1000x128xf32>
    %select_n3A_51 = arith.select %lt3A_46, %broadcast_in_dim3A_49, %broadcast_in_dim3A_50 : vector<1000x128xi1>, vector<1000x128xf32>
    %mul3A = arith.mulf %add3A_9, %select_n3A_51 : vector<1000x128xf32>
    %slice3A = vector.extract_strided_slice %mul3A {offsets = [0, 1], sizes = [1000, 127], strides = [1, 1]} : vector<1000x128xf32> to vector<1000x127xf32>
    %slice3A_52 = vector.extract_strided_slice %mul3A {offsets = [0, 0], sizes = [1000, 1], strides = [1, 1]} : vector<1000x128xf32> to vector<1000x1xf32>
    %concatenate3A = tpu.concatenate %slice3A, %slice3A_52 in 1 : vector<1000x127xf32>, vector<1000x1xf32> -> vector<1000x128xf32>
    %slice3A_53 = vector.extract_strided_slice %mul3A {offsets = [0, 2], sizes = [1000, 126], strides = [1, 1]} : vector<1000x128xf32> to vector<1000x126xf32>
    %slice3A_54 = vector.extract_strided_slice %mul3A {offsets = [0, 0], sizes = [1000, 2], strides = [1, 1]} : vector<1000x128xf32> to vector<1000x2xf32>
    %concatenate3A_55 = tpu.concatenate %slice3A_53, %slice3A_54 in 1 : vector<1000x126xf32>, vector<1000x2xf32> -> vector<1000x128xf32>
    %slice3A_56 = vector.extract_strided_slice %mul3A {offsets = [0, 3], sizes = [1000, 125], strides = [1, 1]} : vector<1000x128xf32> to vector<1000x125xf32>
    %slice3A_57 = vector.extract_strided_slice %mul3A {offsets = [0, 0], sizes = [1000, 3], strides = [1, 1]} : vector<1000x128xf32> to vector<1000x3xf32>
    %concatenate3A_58 = tpu.concatenate %slice3A_56, %slice3A_57 in 1 : vector<1000x125xf32>, vector<1000x3xf32> -> vector<1000x128xf32>
    %min3A = arith.constant 4.13516665 : f32
    %min3A_59 = vector.broadcast %min3A : f32 to vector<1000x128xf32>
    %min3A_60 = arith.minimumf %concatenate3A_55, %min3A_59 : vector<1000x128xf32>
    %min3A_61 = arith.constant 4.13516665 : f32
    %min3A_62 = vector.broadcast %min3A_61 : f32 to vector<1000x128xf32>
    %min3A_63 = arith.minimumf %concatenate3A_58, %min3A_62 : vector<1000x128xf32>
    %get3A_64 = arith.constant 0 : index
    %get3A_65 = arith.constant 0 : index
    %get3A_66 = vector.load %arg3[%get3A_64, %get3A_65] : memref<1000x4xf32, #tpu.memory_space<vmem>>, vector<1000x4xf32>
    %slice3A_67 = vector.extract_strided_slice %get3A_66 {offsets = [0, 2], sizes = [1000, 1], strides = [1, 1]} : vector<1000x4xf32> to vector<1000x1xf32>
    %slice3A_68 = vector.extract_strided_slice %get3A_66 {offsets = [0, 0], sizes = [1000, 1], strides = [1, 1]} : vector<1000x4xf32> to vector<1000x1xf32>
    %sub3A_69 = arith.subf %slice3A_67, %slice3A_68 : vector<1000x1xf32>
    %slice3A_70 = vector.extract_strided_slice %get3A_66 {offsets = [0, 3], sizes = [1000, 1], strides = [1, 1]} : vector<1000x4xf32> to vector<1000x1xf32>
    %slice3A_71 = vector.extract_strided_slice %get3A_66 {offsets = [0, 1], sizes = [1000, 1], strides = [1, 1]} : vector<1000x4xf32> to vector<1000x1xf32>
    %sub3A_72 = arith.subf %slice3A_70, %slice3A_71 : vector<1000x1xf32>
    %slice3A_73 = vector.extract_strided_slice %get3A_66 {offsets = [0, 0], sizes = [1000, 1], strides = [1, 1]} : vector<1000x4xf32> to vector<1000x1xf32>
    %mul3A_74 = arith.constant 5.000000e-01 : f32
    %mul3A_75 = vector.broadcast %mul3A_74 : f32 to vector<1000x1xf32>
    %mul3A_76 = arith.mulf %mul3A_75, %sub3A_69 : vector<1000x1xf32>
    %add3A_77 = arith.addf %slice3A_73, %mul3A_76 : vector<1000x1xf32>
    %slice3A_78 = vector.extract_strided_slice %get3A_66 {offsets = [0, 1], sizes = [1000, 1], strides = [1, 1]} : vector<1000x4xf32> to vector<1000x1xf32>
    %mul3A_79 = arith.constant 5.000000e-01 : f32
    %mul3A_80 = vector.broadcast %mul3A_79 : f32 to vector<1000x1xf32>
    %mul3A_81 = arith.mulf %mul3A_80, %sub3A_72 : vector<1000x1xf32>
    %add3A_82 = arith.addf %slice3A_78, %mul3A_81 : vector<1000x1xf32>
    %mul3A_83 = vector.broadcast %sub3A_69 : vector<1000x1xf32> to vector<1000x128xf32>
    %mul3A_84 = arith.mulf %mul3A, %mul3A_83 : vector<1000x128xf32>
    %add3A_85 = vector.broadcast %add3A_77 : vector<1000x1xf32> to vector<1000x128xf32>
    %add3A_86 = arith.addf %mul3A_84, %add3A_85 : vector<1000x128xf32>
    %mul3A_87 = vector.broadcast %sub3A_72 : vector<1000x1xf32> to vector<1000x128xf32>
    %mul3A_88 = arith.mulf %concatenate3A, %mul3A_87 : vector<1000x128xf32>
    %add3A_89 = vector.broadcast %add3A_82 : vector<1000x1xf32> to vector<1000x128xf32>
    %add3A_90 = arith.addf %mul3A_88, %add3A_89 : vector<1000x128xf32>
    %exp3A_91 = math.exp %min3A_60 : vector<1000x128xf32>
    %mul3A_92 = vector.broadcast %sub3A_69 : vector<1000x1xf32> to vector<1000x128xf32>
    %mul3A_93 = arith.mulf %exp3A_91, %mul3A_92 : vector<1000x128xf32>
    %exp3A_94 = math.exp %min3A_63 : vector<1000x128xf32>
    %mul3A_95 = vector.broadcast %sub3A_72 : vector<1000x1xf32> to vector<1000x128xf32>
    %mul3A_96 = arith.mulf %exp3A_94, %mul3A_95 : vector<1000x128xf32>
    %get3A_97 = arith.constant 0 : index
    %get3A_98 = arith.constant 0 : index
    %get3A_99 = vector.load %arg4[%get3A_97, %get3A_98] : memref<1x2xf32, #tpu.memory_space<vmem>>, vector<1x1xf32>
    %get3A_100 = vector.extract %get3A_99[0, 0] : f32 from vector<1x1xf32>
    %get3A_101 = arith.constant 0 : index
    %get3A_102 = arith.constant 1 : index
    %get3A_103 = vector.load %arg4[%get3A_101, %get3A_102] : memref<1x2xf32, #tpu.memory_space<vmem>>, vector<1x1xf32>
    %get3A_104 = vector.extract %get3A_103[0, 0] : f32 from vector<1x1xf32>
    %mul3A_105 = arith.constant 5.000000e-01 : f32
    %mul3A_106 = vector.broadcast %mul3A_105 : f32 to vector<1000x128xf32>
    %mul3A_107 = arith.mulf %mul3A_106, %mul3A_93 : vector<1000x128xf32>
    %sub3A_108 = arith.subf %add3A_86, %mul3A_107 : vector<1000x128xf32>
    %jit3A_109 = arith.constant 0.000000e+00 : f32
    %max3A = vector.broadcast %jit3A_109 : f32 to vector<1000x128xf32>
    %max3A_110 = arith.maximumf %max3A, %sub3A_108 : vector<1000x128xf32>
    %min3A_111 = vector.broadcast %get3A_104 : f32 to vector<1000x128xf32>
    %min3A_112 = arith.minimumf %min3A_111, %max3A_110 : vector<1000x128xf32>
    %swap3A_113 = arith.constant 0 : index
    %swap3A_114 = arith.constant 0 : index
    %swap3A_115 = vector.load %arg6[%swap3A_113, %swap3A_114] : memref<1000x128xf32, #tpu.memory_space<vmem>>, vector<1000x128xf32>
    tpu.vector_store %arg6[%swap3A_113, %swap3A_114], %min3A_112 {strides = array<i32>} : memref<1000x128xf32, #tpu.memory_space<vmem>>, vector<1000x128xf32>,
    %mul3A_116 = arith.constant 5.000000e-01 : f32
    %mul3A_117 = vector.broadcast %mul3A_116 : f32 to vector<1000x128xf32>
    %mul3A_118 = arith.mulf %mul3A_117, %mul3A_96 : vector<1000x128xf32>
    %sub3A_119 = arith.subf %add3A_90, %mul3A_118 : vector<1000x128xf32>
    %jit3A_120 = arith.constant 0.000000e+00 : f32
    %max3A_121 = vector.broadcast %jit3A_120 : f32 to vector<1000x128xf32>
    %max3A_122 = arith.maximumf %max3A_121, %sub3A_119 : vector<1000x128xf32>
    %min3A_123 = vector.broadcast %get3A_100 : f32 to vector<1000x128xf32>
    %min3A_124 = arith.minimumf %min3A_123, %max3A_122 : vector<1000x128xf32>
    %swap3A_125 = arith.constant 0 : index
    %swap3A_126 = arith.constant 0 : index
    %swap3A_127 = vector.load %arg7[%swap3A_125, %swap3A_126] : memref<1000x128xf32, #tpu.memory_space<vmem>>, vector<1000x128xf32>
    tpu.vector_store %arg7[%swap3A_125, %swap3A_126], %min3A_124 {strides = array<i32>} : memref<1000x128xf32, #tpu.memory_space<vmem>>, vector<1000x128xf32>,
    %mul3A_128 = arith.constant 5.000000e-01 : f32
    %mul3A_129 = vector.broadcast %mul3A_128 : f32 to vector<1000x128xf32>
    %mul3A_130 = arith.mulf %mul3A_129, %mul3A_93 : vector<1000x128xf32>
    %add3A_131 = arith.addf %add3A_86, %mul3A_130 : vector<1000x128xf32>
    %jit3A_132 = arith.constant 0.000000e+00 : f32
    %max3A_133 = vector.broadcast %jit3A_132 : f32 to vector<1000x128xf32>
    %max3A_134 = arith.maximumf %max3A_133, %add3A_131 : vector<1000x128xf32>
    %min3A_135 = vector.broadcast %get3A_104 : f32 to vector<1000x128xf32>
    %min3A_136 = arith.minimumf %min3A_135, %max3A_134 : vector<1000x128xf32>
    %swap3A_137 = arith.constant 0 : index
    %swap3A_138 = arith.constant 0 : index
    %swap3A_139 = vector.load %arg8[%swap3A_137, %swap3A_138] : memref<1000x128xf32, #tpu.memory_space<vmem>>, vector<1000x128xf32>
    tpu.vector_store %arg8[%swap3A_137, %swap3A_138], %min3A_136 {strides = array<i32>} : memref<1000x128xf32, #tpu.memory_space<vmem>>, vector<1000x128xf32>,
    %mul3A_140 = arith.constant 5.000000e-01 : f32
    %mul3A_141 = vector.broadcast %mul3A_140 : f32 to vector<1000x128xf32>
    %mul3A_142 = arith.mulf %mul3A_141, %mul3A_96 : vector<1000x128xf32>
    %add3A_143 = arith.addf %add3A_90, %mul3A_142 : vector<1000x128xf32>
    %jit3A_144 = arith.constant 0.000000e+00 : f32
    %max3A_145 = vector.broadcast %jit3A_144 : f32 to vector<1000x128xf32>
    %max3A_146 = arith.maximumf %max3A_145, %add3A_143 : vector<1000x128xf32>
    %min3A_147 = vector.broadcast %get3A_100 : f32 to vector<1000x128xf32>
    %min3A_148 = arith.minimumf %min3A_147, %max3A_146 : vector<1000x128xf32>
    %swap3A_149 = arith.constant 0 : index
    %swap3A_150 = arith.constant 0 : index
    %swap3A_151 = vector.load %arg9[%swap3A_149, %swap3A_150] : memref<1000x128xf32, #tpu.memory_space<vmem>>, vector<1000x128xf32>
    tpu.vector_store %arg9[%swap3A_149, %swap3A_150], %min3A_148 {strides = array<i32>} : memref<1000x128xf32, #tpu.memory_space<vmem>>, vector<1000x128xf32>,
    return
  }
}

module attributes {stable_mosaic.version = 14 : i64} {
  func.func @_nms_body(%arg0: memref<160x128xf32, #tpu.memory_space<vmem>>, %arg1: memref<160x128xf32, #tpu.memory_space<vmem>>, %arg2: memref<160x128xf32, #tpu.memory_space<vmem>>, %arg3: memref<160x128xf32, #tpu.memory_space<vmem>>, %arg4: memref<160x128xf32, #tpu.memory_space<vmem>>, %arg5: memref<8x128xf32, #tpu.memory_space<vmem>>) attributes {dimension_semantics = [], scalar_prefetch = 0 : i64, scratch_operands = 0 : i64, tpu.core_type = #tpu.core_type<tc>} {
    %get3A = arith.constant 0 : index
    %get3A_0 = arith.constant 0 : index
    %get3A_1 = vector.load %arg0[%get3A, %get3A_0] : memref<160x128xf32, #tpu.memory_space<vmem>>, vector<160x128xf32>
    %get3A_2 = arith.constant 0 : index
    %get3A_3 = arith.constant 0 : index
    %get3A_4 = vector.load %arg1[%get3A_2, %get3A_3] : memref<160x128xf32, #tpu.memory_space<vmem>>, vector<160x128xf32>
    %get3A_5 = arith.constant 0 : index
    %get3A_6 = arith.constant 0 : index
    %get3A_7 = vector.load %arg2[%get3A_5, %get3A_6] : memref<160x128xf32, #tpu.memory_space<vmem>>, vector<160x128xf32>
    %get3A_8 = arith.constant 0 : index
    %get3A_9 = arith.constant 0 : index
    %get3A_10 = vector.load %arg3[%get3A_8, %get3A_9] : memref<160x128xf32, #tpu.memory_space<vmem>>, vector<160x128xf32>
    %get3A_11 = arith.constant 0 : index
    %get3A_12 = arith.constant 0 : index
    %get3A_13 = vector.load %arg4[%get3A_11, %get3A_12] : memref<160x128xf32, #tpu.memory_space<vmem>>, vector<160x128xf32>
    %iota3A = tpu.iota {dimensions = array<i32: 0>} : vector<160x128xi32>
    %mul3A = arith.constant 128 : i32
    %mul3A_14 = vector.broadcast %mul3A : i32 to vector<160x128xi32>
    %mul3A_15 = arith.muli %iota3A, %mul3A_14 : vector<160x128xi32>
    %iota3A_16 = tpu.iota {dimensions = array<i32: 1>} : vector<160x128xi32>
    %add3A = arith.addi %mul3A_15, %iota3A_16 : vector<160x128xi32>
    %gt3A = arith.constant 5.000000e-02 : f32
    %gt3A_17 = vector.broadcast %gt3A : f32 to vector<160x128xf32>
    %gt3A_18 = arith.cmpf ogt, %get3A_1, %gt3A_17 : vector<160x128xf32>
    %sub3A = arith.subf %get3A_10, %get3A_4 : vector<160x128xf32>
    %ge3A = arith.constant 1.000000e+00 : f32
    %ge3A_19 = vector.broadcast %ge3A : f32 to vector<160x128xf32>
    %ge3A_20 = arith.cmpf oge, %sub3A, %ge3A_19 : vector<160x128xf32>
    %and3A = arith.andi %gt3A_18, %ge3A_20 : vector<160x128xi1>
    %sub3A_21 = arith.subf %get3A_13, %get3A_7 : vector<160x128xf32>
    %ge3A_22 = arith.constant 1.000000e+00 : f32
    %ge3A_23 = vector.broadcast %ge3A_22 : f32 to vector<160x128xf32>
    %ge3A_24 = arith.cmpf oge, %sub3A_21, %ge3A_23 : vector<160x128xf32>
    %and3A_25 = arith.andi %and3A, %ge3A_24 : vector<160x128xi1>
    %jit3A = arith.constant 0xFF800000 : f32
    %broadcast_in_dim3A = vector.broadcast %jit3A : f32 to vector<160x128xf32>
    %select_n3A = arith.select %and3A_25, %get3A_1, %broadcast_in_dim3A : vector<160x128xi1>, vector<160x128xf32>
    %bitcast_convert_type3A = tpu.bitcast %select_n3A : vector<160x128xf32> -> vector<160x128xi32>
    %scan3A = arith.constant 1 : i32
    %scan3A_26 = arith.constant 1073741824 : i32
    %scan3A_27 = arith.constant 0 : i32
    %scan3A_28 = arith.constant 31 : i32
    %scan3A_29 = arith.addi %scan3A_27, %scan3A_28 : i32
    %scan3A_30 = arith.constant 1 : i32
    %scan3A_31:2 = scf.for %scan3A_114 = %scan3A_27 to %scan3A_29 step %scan3A_30 iter_args(%scan3A_115 = %scan3A, %scan3A_116 = %scan3A_26) -> (i32, i32)  : i32 {
      %sub3A_117 = arith.subi %scan3A_116, %scan3A_115 : i32
      %add3A_118 = arith.constant 1 : i32
      %add3A_119 = arith.addi %sub3A_117, %add3A_118 : i32
      %jit3A_120 = arith.constant 2 : i32
      %div3A = arith.divsi %add3A_119, %jit3A_120 : i32
      %sign3A = arith.constant 0 : i32
      %sign3A_121 = arith.cmpi sgt, %add3A_119, %sign3A : i32
      %sign3A_122 = arith.extui %sign3A_121 : i1 to i32
      %sign3A_123 = arith.constant 0 : i32
      %sign3A_124 = arith.cmpi slt, %add3A_119, %sign3A_123 : i32
      %sign3A_125 = arith.extui %sign3A_124 : i1 to i32
      %sign3A_126 = arith.subi %sign3A_122, %sign3A_125 : i32
      %sign3A_127 = arith.constant 0 : i32
      %sign3A_128 = arith.cmpi sgt, %jit3A_120, %sign3A_127 : i32
      %sign3A_129 = arith.extui %sign3A_128 : i1 to i32
      %sign3A_130 = arith.constant 0 : i32
      %sign3A_131 = arith.cmpi slt, %jit3A_120, %sign3A_130 : i32
      %sign3A_132 = arith.extui %sign3A_131 : i1 to i32
      %sign3A_133 = arith.subi %sign3A_129, %sign3A_132 : i32
      %ne3A_134 = arith.cmpi ne, %sign3A_126, %sign3A_133 : i32
      %rem3A_135 = arith.remsi %add3A_119, %jit3A_120 : i32
      %ne3A_136 = arith.constant 0 : i32
      %ne3A_137 = arith.cmpi ne, %rem3A_135, %ne3A_136 : i32
      %and3A_138 = arith.andi %ne3A_134, %ne3A_137 : i1
      %sub3A_139 = arith.constant 1 : i32
      %sub3A_140 = arith.subi %div3A, %sub3A_139 : i32
      %select_n3A_141 = arith.select %and3A_138, %sub3A_140, %div3A : i32
      %add3A_142 = arith.addi %scan3A_115, %select_n3A_141 : i32
      %ge3A_143 = vector.broadcast %add3A_142 : i32 to vector<160x128xi32>
      %ge3A_144 = arith.cmpi sge, %bitcast_convert_type3A, %ge3A_143 : vector<160x128xi32>
      %convert_element_type3A_145 = arith.extui %ge3A_144 : vector<160x128xi1> to vector<160x128xi32>
      %reduce_sum3A_146 = vector.shape_cast %convert_element_type3A_145 : vector<160x128xi32> to vector<1x160x128xi32>
      %reduce_sum3A_147 = arith.constant dense<0> : vector<1xi32>
      %reduce_sum3A_148 = vector.multi_reduction <add>, %reduce_sum3A_146, %reduce_sum3A_147 [1, 2] : vector<1x160x128xi32> to vector<1xi32>
      %reduce_sum3A_149 = vector.shape_cast %reduce_sum3A_148 : vector<1xi32> to vector<1x1x1xi32>
      %reduce_sum3A_150 = vector.extract %reduce_sum3A_149[0, 0, 0] : i32 from vector<1x1x1xi32>
      %ge3A_151 = arith.constant 2000 : i32
      %ge3A_152 = arith.cmpi sge, %reduce_sum3A_150, %ge3A_151 : i32
      %select_n3A_153 = arith.select %ge3A_152, %add3A_142, %scan3A_115 : i32
      %sub3A_154 = arith.constant 1 : i32
      %sub3A_155 = arith.subi %add3A_142, %sub3A_154 : i32
      %select_n3A_156 = arith.select %ge3A_152, %scan3A_116, %sub3A_155 : i32
      scf.yield %select_n3A_153, %select_n3A_156 : i32, i32
    }
    %gt3A_32 = vector.broadcast %scan3A_31#0 : i32 to vector<160x128xi32>
    %gt3A_33 = arith.cmpi sgt, %bitcast_convert_type3A, %gt3A_32 : vector<160x128xi32>
    %convert_element_type3A = arith.extui %gt3A_33 : vector<160x128xi1> to vector<160x128xi32>
    %reduce_sum3A = vector.shape_cast %convert_element_type3A : vector<160x128xi32> to vector<1x160x128xi32>
    %reduce_sum3A_34 = arith.constant dense<0> : vector<1xi32>
    %reduce_sum3A_35 = vector.multi_reduction <add>, %reduce_sum3A, %reduce_sum3A_34 [1, 2] : vector<1x160x128xi32> to vector<1xi32>
    %reduce_sum3A_36 = vector.shape_cast %reduce_sum3A_35 : vector<1xi32> to vector<1x1x1xi32>
    %reduce_sum3A_37 = vector.extract %reduce_sum3A_36[0, 0, 0] : i32 from vector<1x1x1xi32>
    %sub3A_38 = arith.constant 2000 : i32
    %sub3A_39 = arith.subi %sub3A_38, %reduce_sum3A_37 : i32
    %eq3A = vector.broadcast %scan3A_31#0 : i32 to vector<160x128xi32>
    %eq3A_40 = arith.cmpi eq, %bitcast_convert_type3A, %eq3A : vector<160x128xi32>
    %scan3A_41 = arith.constant 0 : i32
    %scan3A_42 = arith.constant 20479 : i32
    %scan3A_43 = arith.constant 0 : i32
    %scan3A_44 = arith.constant 16 : i32
    %scan3A_45 = arith.addi %scan3A_43, %scan3A_44 : i32
    %scan3A_46 = arith.constant 1 : i32
    %scan3A_47:2 = scf.for %scan3A_114 = %scan3A_43 to %scan3A_45 step %scan3A_46 iter_args(%scan3A_115 = %scan3A_41, %scan3A_116 = %scan3A_42) -> (i32, i32)  : i32 {
      %add3A_117 = arith.addi %scan3A_115, %scan3A_116 : i32
      %jit3A_118 = arith.constant 2 : i32
      %div3A = arith.divsi %add3A_117, %jit3A_118 : i32
      %sign3A = arith.constant 0 : i32
      %sign3A_119 = arith.cmpi sgt, %add3A_117, %sign3A : i32
      %sign3A_120 = arith.extui %sign3A_119 : i1 to i32
      %sign3A_121 = arith.constant 0 : i32
      %sign3A_122 = arith.cmpi slt, %add3A_117, %sign3A_121 : i32
      %sign3A_123 = arith.extui %sign3A_122 : i1 to i32
      %sign3A_124 = arith.subi %sign3A_120, %sign3A_123 : i32
      %sign3A_125 = arith.constant 0 : i32
      %sign3A_126 = arith.cmpi sgt, %jit3A_118, %sign3A_125 : i32
      %sign3A_127 = arith.extui %sign3A_126 : i1 to i32
      %sign3A_128 = arith.constant 0 : i32
      %sign3A_129 = arith.cmpi slt, %jit3A_118, %sign3A_128 : i32
      %sign3A_130 = arith.extui %sign3A_129 : i1 to i32
      %sign3A_131 = arith.subi %sign3A_127, %sign3A_130 : i32
      %ne3A_132 = arith.cmpi ne, %sign3A_124, %sign3A_131 : i32
      %rem3A_133 = arith.remsi %add3A_117, %jit3A_118 : i32
      %ne3A_134 = arith.constant 0 : i32
      %ne3A_135 = arith.cmpi ne, %rem3A_133, %ne3A_134 : i32
      %and3A_136 = arith.andi %ne3A_132, %ne3A_135 : i1
      %sub3A_137 = arith.constant 1 : i32
      %sub3A_138 = arith.subi %div3A, %sub3A_137 : i32
      %select_n3A_139 = arith.select %and3A_136, %sub3A_138, %div3A : i32
      %le3A_140 = vector.broadcast %select_n3A_139 : i32 to vector<160x128xi32>
      %le3A_141 = arith.cmpi sle, %add3A, %le3A_140 : vector<160x128xi32>
      %and3A_142 = arith.andi %eq3A_40, %le3A_141 : vector<160x128xi1>
      %convert_element_type3A_143 = arith.extui %and3A_142 : vector<160x128xi1> to vector<160x128xi32>
      %reduce_sum3A_144 = vector.shape_cast %convert_element_type3A_143 : vector<160x128xi32> to vector<1x160x128xi32>
      %reduce_sum3A_145 = arith.constant dense<0> : vector<1xi32>
      %reduce_sum3A_146 = vector.multi_reduction <add>, %reduce_sum3A_144, %reduce_sum3A_145 [1, 2] : vector<1x160x128xi32> to vector<1xi32>
      %reduce_sum3A_147 = vector.shape_cast %reduce_sum3A_146 : vector<1xi32> to vector<1x1x1xi32>
      %reduce_sum3A_148 = vector.extract %reduce_sum3A_147[0, 0, 0] : i32 from vector<1x1x1xi32>
      %ge3A_149 = arith.cmpi sge, %reduce_sum3A_148, %sub3A_39 : i32
      %add3A_150 = arith.constant 1 : i32
      %add3A_151 = arith.addi %select_n3A_139, %add3A_150 : i32
      %select_n3A_152 = arith.select %ge3A_149, %scan3A_115, %add3A_151 : i32
      %select_n3A_153 = arith.select %ge3A_149, %select_n3A_139, %scan3A_116 : i32
      scf.yield %select_n3A_152, %select_n3A_153 : i32, i32
    }
    %gt3A_48 = vector.broadcast %scan3A_31#0 : i32 to vector<160x128xi32>
    %gt3A_49 = arith.cmpi sgt, %bitcast_convert_type3A, %gt3A_48 : vector<160x128xi32>
    %le3A = vector.broadcast %scan3A_47#0 : i32 to vector<160x128xi32>
    %le3A_50 = arith.cmpi sle, %add3A, %le3A : vector<160x128xi32>
    %and3A_51 = arith.andi %eq3A_40, %le3A_50 : vector<160x128xi1>
    %or3A = arith.ori %gt3A_49, %and3A_51 : vector<160x128xi1>
    %jit3A_52 = arith.constant 0xFF800000 : f32
    %broadcast_in_dim3A_53 = vector.broadcast %jit3A_52 : f32 to vector<160x128xf32>
    %select_n3A_54 = arith.select %or3A, %select_n3A, %broadcast_in_dim3A_53 : vector<160x128xi1>, vector<160x128xf32>
    %jit3A_55 = arith.constant 20 : i32
    %eq3A_56 = arith.constant 0 : i32
    %eq3A_57 = arith.cmpi eq, %jit3A_55, %eq3A_56 : i32
    %jit3A_58 = arith.constant 1 : i32
    %select_n3A_59 = arith.select %eq3A_57, %jit3A_58, %jit3A_55 : i32
    %rem3A = vector.broadcast %select_n3A_59 : i32 to vector<160x128xi32>
    %rem3A_60 = arith.remsi %add3A, %rem3A : vector<160x128xi32>
    %ne3A = arith.constant 0 : i32
    %ne3A_61 = vector.broadcast %ne3A : i32 to vector<160x128xi32>
    %ne3A_62 = arith.cmpi ne, %rem3A_60, %ne3A_61 : vector<160x128xi32>
    %lt3A = arith.constant 0 : i32
    %lt3A_63 = vector.broadcast %lt3A : i32 to vector<160x128xi32>
    %lt3A_64 = arith.cmpi slt, %rem3A_60, %lt3A_63 : vector<160x128xi32>
    %lt3A_65 = arith.constant 0 : i32
    %lt3A_66 = arith.cmpi slt, %select_n3A_59, %lt3A_65 : i32
    %ne3A_67 = vector.broadcast %lt3A_66 : i1 to vector<160x128xi1>
    %ne3A_68 = vector.broadcast %ne3A_67 : vector<160x128xi1> to vector<160x128xi1>
    %ne3A_69 = arith.xori %lt3A_64, %ne3A_68 : vector<160x128xi1>
    %and3A_70 = arith.andi %ne3A_69, %ne3A_62 : vector<160x128xi1>
    %add3A_71 = vector.broadcast %select_n3A_59 : i32 to vector<160x128xi32>
    %add3A_72 = arith.addi %rem3A_60, %add3A_71 : vector<160x128xi32>
    %select_n3A_73 = arith.select %and3A_70, %add3A_72, %rem3A_60 : vector<160x128xi1>, vector<160x128xi32>
    %add3A_74 = arith.constant 1 : i32
    %add3A_75 = vector.broadcast %add3A_74 : i32 to vector<160x128xi32>
    %add3A_76 = arith.addi %select_n3A_73, %add3A_75 : vector<160x128xi32>
    %convert_element_type3A_77 = arith.sitofp %add3A_76 : vector<160x128xi32> to vector<160x128xf32>
    %mul3A_78 = arith.constant 1.000000e+03 : f32
    %mul3A_79 = vector.broadcast %mul3A_78 : f32 to vector<160x128xf32>
    %mul3A_80 = arith.mulf %convert_element_type3A_77, %mul3A_79 : vector<160x128xf32>
    %add3A_81 = arith.addf %get3A_4, %mul3A_80 : vector<160x128xf32>
    %add3A_82 = arith.addf %get3A_7, %mul3A_80 : vector<160x128xf32>
    %add3A_83 = arith.addf %get3A_10, %mul3A_80 : vector<160x128xf32>
    %add3A_84 = arith.addf %get3A_13, %mul3A_80 : vector<160x128xf32>
    %sub3A_85 = arith.subf %add3A_83, %add3A_81 : vector<160x128xf32>
    %sub3A_86 = arith.subf %add3A_84, %add3A_82 : vector<160x128xf32>
    %mul3A_87 = arith.mulf %sub3A_85, %sub3A_86 : vector<160x128xf32>
    %reduce_max3A = vector.shape_cast %select_n3A_54 : vector<160x128xf32> to vector<1x160x128xf32>
    %reduce_max3A_88 = arith.constant dense<0xFF800000> : vector<1xf32>
    %reduce_max3A_89 = vector.multi_reduction <maximumf>, %reduce_max3A, %reduce_max3A_88 [1, 2] : vector<1x160x128xf32> to vector<1xf32>
    %reduce_max3A_90 = vector.shape_cast %reduce_max3A_89 : vector<1xf32> to vector<1x1x1xf32>
    %reduce_max3A_91 = vector.extract %reduce_max3A_90[0, 0, 0] : f32 from vector<1x1x1xf32>
    %eq3A_92 = vector.broadcast %reduce_max3A_91 : f32 to vector<160x128xf32>
    %eq3A_93 = arith.cmpf oeq, %select_n3A_54, %eq3A_92 : vector<160x128xf32>
    %jit3A_94 = arith.constant 1073741824 : i32
    %broadcast_in_dim3A_95 = vector.broadcast %jit3A_94 : i32 to vector<160x128xi32>
    %select_n3A_96 = arith.select %eq3A_93, %add3A, %broadcast_in_dim3A_95 : vector<160x128xi1>, vector<160x128xi32>
    %reduce_min3A = vector.shape_cast %select_n3A_96 : vector<160x128xi32> to vector<1x160x128xi32>
    %reduce_min3A_97 = arith.constant dense<2147483647> : vector<1xi32>
    %reduce_min3A_98 = vector.multi_reduction <minsi>, %reduce_min3A, %reduce_min3A_97 [1, 2] : vector<1x160x128xi32> to vector<1xi32>
    %reduce_min3A_99 = vector.shape_cast %reduce_min3A_98 : vector<1xi32> to vector<1x1x1xi32>
    %reduce_min3A_100 = vector.extract %reduce_min3A_99[0, 0, 0] : i32 from vector<1x1x1xi32>
    %min3A = arith.constant 19999 : i32
    %min3A_101 = arith.minsi %reduce_min3A_100, %min3A : i32
    %broadcast_in_dim3A_102 = arith.constant 0.000000e+00 : f32
    %broadcast_in_dim3A_103 = vector.broadcast %broadcast_in_dim3A_102 : f32 to vector<1x128xf32>
    %iota3A_104 = tpu.iota {dimensions = array<i32: 1>} : vector<1x128xi32>
    %scan3A_105 = arith.constant 0xFF800000 : f32
    %scan3A_106 = arith.constant 0 : i32
    %scan3A_107 = arith.constant 100 : i32
    %scan3A_108 = arith.addi %scan3A_106, %scan3A_107 : i32
    %scan3A_109 = arith.constant 1 : i32
    %scan3A_110:7 = scf.for %scan3A_114 = %scan3A_106 to %scan3A_108 step %scan3A_109 iter_args(%scan3A_115 = %select_n3A_54, %scan3A_116 = %broadcast_in_dim3A_103, %scan3A_117 = %broadcast_in_dim3A_103, %scan3A_118 = %broadcast_in_dim3A_103, %scan3A_119 = %broadcast_in_dim3A_103, %scan3A_120 = %broadcast_in_dim3A_103, %scan3A_121 = %broadcast_in_dim3A_103) -> (vector<160x128xf32>, vector<1x128xf32>, vector<1x128xf32>, vector<1x128xf32>, vector<1x128xf32>, vector<1x128xf32>, vector<1x128xf32>)  : i32 {
      %reduce_max3A_122 = vector.shape_cast %scan3A_115 : vector<160x128xf32> to vector<1x160x128xf32>
      %reduce_max3A_123 = arith.constant dense<0xFF800000> : vector<1xf32>
      %reduce_max3A_124 = vector.multi_reduction <maximumf>, %reduce_max3A_122, %reduce_max3A_123 [1, 2] : vector<1x160x128xf32> to vector<1xf32>
      %reduce_max3A_125 = vector.shape_cast %reduce_max3A_124 : vector<1xf32> to vector<1x1x1xf32>
      %reduce_max3A_126 = vector.extract %reduce_max3A_125[0, 0, 0] : f32 from vector<1x1x1xf32>
      %eq3A_127 = vector.broadcast %reduce_max3A_126 : f32 to vector<160x128xf32>
      %eq3A_128 = arith.cmpf oeq, %scan3A_115, %eq3A_127 : vector<160x128xf32>
      %jit3A_129 = arith.constant 1073741824 : i32
      %broadcast_in_dim3A_130 = vector.broadcast %jit3A_129 : i32 to vector<160x128xi32>
      %select_n3A_131 = arith.select %eq3A_128, %add3A, %broadcast_in_dim3A_130 : vector<160x128xi1>, vector<160x128xi32>
      %reduce_min3A_132 = vector.shape_cast %select_n3A_131 : vector<160x128xi32> to vector<1x160x128xi32>
      %reduce_min3A_133 = arith.constant dense<2147483647> : vector<1xi32>
      %reduce_min3A_134 = vector.multi_reduction <minsi>, %reduce_min3A_132, %reduce_min3A_133 [1, 2] : vector<1x160x128xi32> to vector<1xi32>
      %reduce_min3A_135 = vector.shape_cast %reduce_min3A_134 : vector<1xi32> to vector<1x1x1xi32>
      %reduce_min3A_136 = vector.extract %reduce_min3A_135[0, 0, 0] : i32 from vector<1x1x1xi32>
      %eq3A_137 = arith.cmpf oeq, %reduce_max3A_126, %scan3A_105 : f32
      %select_n3A_138 = arith.select %eq3A_137, %min3A_101, %reduce_min3A_136 : i32
      %eq3A_139 = vector.broadcast %select_n3A_138 : i32 to vector<160x128xi32>
      %eq3A_140 = arith.cmpi eq, %add3A, %eq3A_139 : vector<160x128xi32>
      %jit3A_141 = arith.constant 0.000000e+00 : f32
      %broadcast_in_dim3A_142 = vector.broadcast %jit3A_141 : f32 to vector<160x128xf32>
      %select_n3A_143 = arith.select %eq3A_140, %get3A_4, %broadcast_in_dim3A_142 : vector<160x128xi1>, vector<160x128xf32>
      %reduce_sum3A_144 = vector.shape_cast %select_n3A_143 : vector<160x128xf32> to vector<1x160x128xf32>
      %reduce_sum3A_145 = arith.constant dense<0.000000e+00> : vector<1xf32>
      %reduce_sum3A_146 = vector.multi_reduction <add>, %reduce_sum3A_144, %reduce_sum3A_145 [1, 2] : vector<1x160x128xf32> to vector<1xf32>
      %reduce_sum3A_147 = vector.shape_cast %reduce_sum3A_146 : vector<1xf32> to vector<1x1x1xf32>
      %reduce_sum3A_148 = vector.extract %reduce_sum3A_147[0, 0, 0] : f32 from vector<1x1x1xf32>
      %jit3A_149 = arith.constant 0.000000e+00 : f32
      %broadcast_in_dim3A_150 = vector.broadcast %jit3A_149 : f32 to vector<160x128xf32>
      %select_n3A_151 = arith.select %eq3A_140, %get3A_7, %broadcast_in_dim3A_150 : vector<160x128xi1>, vector<160x128xf32>
      %reduce_sum3A_152 = vector.shape_cast %select_n3A_151 : vector<160x128xf32> to vector<1x160x128xf32>
      %reduce_sum3A_153 = arith.constant dense<0.000000e+00> : vector<1xf32>
      %reduce_sum3A_154 = vector.multi_reduction <add>, %reduce_sum3A_152, %reduce_sum3A_153 [1, 2] : vector<1x160x128xf32> to vector<1xf32>
      %reduce_sum3A_155 = vector.shape_cast %reduce_sum3A_154 : vector<1xf32> to vector<1x1x1xf32>
      %reduce_sum3A_156 = vector.extract %reduce_sum3A_155[0, 0, 0] : f32 from vector<1x1x1xf32>
      %jit3A_157 = arith.constant 0.000000e+00 : f32
      %broadcast_in_dim3A_158 = vector.broadcast %jit3A_157 : f32 to vector<160x128xf32>
      %select_n3A_159 = arith.select %eq3A_140, %get3A_10, %broadcast_in_dim3A_158 : vector<160x128xi1>, vector<160x128xf32>
      %reduce_sum3A_160 = vector.shape_cast %select_n3A_159 : vector<160x128xf32> to vector<1x160x128xf32>
      %reduce_sum3A_161 = arith.constant dense<0.000000e+00> : vector<1xf32>
      %reduce_sum3A_162 = vector.multi_reduction <add>, %reduce_sum3A_160, %reduce_sum3A_161 [1, 2] : vector<1x160x128xf32> to vector<1xf32>
      %reduce_sum3A_163 = vector.shape_cast %reduce_sum3A_162 : vector<1xf32> to vector<1x1x1xf32>
      %reduce_sum3A_164 = vector.extract %reduce_sum3A_163[0, 0, 0] : f32 from vector<1x1x1xf32>
      %jit3A_165 = arith.constant 0.000000e+00 : f32
      %broadcast_in_dim3A_166 = vector.broadcast %jit3A_165 : f32 to vector<160x128xf32>
      %select_n3A_167 = arith.select %eq3A_140, %get3A_13, %broadcast_in_dim3A_166 : vector<160x128xi1>, vector<160x128xf32>
      %reduce_sum3A_168 = vector.shape_cast %select_n3A_167 : vector<160x128xf32> to vector<1x160x128xf32>
      %reduce_sum3A_169 = arith.constant dense<0.000000e+00> : vector<1xf32>
      %reduce_sum3A_170 = vector.multi_reduction <add>, %reduce_sum3A_168, %reduce_sum3A_169 [1, 2] : vector<1x160x128xf32> to vector<1xf32>
      %reduce_sum3A_171 = vector.shape_cast %reduce_sum3A_170 : vector<1xf32> to vector<1x1x1xf32>
      %reduce_sum3A_172 = vector.extract %reduce_sum3A_171[0, 0, 0] : f32 from vector<1x1x1xf32>
      %jit3A_173 = arith.constant 20 : i32
      %eq3A_174 = arith.constant 0 : i32
      %eq3A_175 = arith.cmpi eq, %jit3A_173, %eq3A_174 : i32
      %jit3A_176 = arith.constant 1 : i32
      %select_n3A_177 = arith.select %eq3A_175, %jit3A_176, %jit3A_173 : i32
      %rem3A_178 = arith.remsi %select_n3A_138, %select_n3A_177 : i32
      %ne3A_179 = arith.constant 0 : i32
      %ne3A_180 = arith.cmpi ne, %rem3A_178, %ne3A_179 : i32
      %lt3A_181 = arith.constant 0 : i32
      %lt3A_182 = arith.cmpi slt, %rem3A_178, %lt3A_181 : i32
      %lt3A_183 = arith.constant 0 : i32
      %lt3A_184 = arith.cmpi slt, %select_n3A_177, %lt3A_183 : i32
      %ne3A_185 = arith.xori %lt3A_182, %lt3A_184 : i1
      %and3A_186 = arith.andi %ne3A_185, %ne3A_180 : i1
      %add3A_187 = arith.addi %rem3A_178, %select_n3A_177 : i32
      %select_n3A_188 = arith.select %and3A_186, %add3A_187, %rem3A_178 : i32
      %add3A_189 = arith.constant 1 : i32
      %add3A_190 = arith.addi %select_n3A_188, %add3A_189 : i32
      %convert_element_type3A_191 = arith.sitofp %add3A_190 : i32 to f32
      %mul3A_192 = arith.constant 1.000000e+03 : f32
      %mul3A_193 = arith.mulf %convert_element_type3A_191, %mul3A_192 : f32
      %add3A_194 = arith.addf %reduce_sum3A_148, %mul3A_193 : f32
      %add3A_195 = arith.addf %reduce_sum3A_156, %mul3A_193 : f32
      %add3A_196 = arith.addf %reduce_sum3A_164, %mul3A_193 : f32
      %add3A_197 = arith.addf %reduce_sum3A_172, %mul3A_193 : f32
      %sub3A_198 = arith.subf %add3A_196, %add3A_194 : f32
      %sub3A_199 = arith.subf %add3A_197, %add3A_195 : f32
      %mul3A_200 = arith.mulf %sub3A_198, %sub3A_199 : f32
      %max3A = vector.broadcast %add3A_194 : f32 to vector<160x128xf32>
      %max3A_201 = arith.maximumf %max3A, %add3A_81 : vector<160x128xf32>
      %max3A_202 = vector.broadcast %add3A_195 : f32 to vector<160x128xf32>
      %max3A_203 = arith.maximumf %max3A_202, %add3A_82 : vector<160x128xf32>
      %min3A_204 = vector.broadcast %add3A_196 : f32 to vector<160x128xf32>
      %min3A_205 = arith.minimumf %min3A_204, %add3A_83 : vector<160x128xf32>
      %min3A_206 = vector.broadcast %add3A_197 : f32 to vector<160x128xf32>
      %min3A_207 = arith.minimumf %min3A_206, %add3A_84 : vector<160x128xf32>
      %sub3A_208 = arith.subf %min3A_205, %max3A_201 : vector<160x128xf32>
      %max3A_209 = arith.constant 0.000000e+00 : f32
      %max3A_210 = vector.broadcast %max3A_209 : f32 to vector<160x128xf32>
      %max3A_211 = arith.maximumf %sub3A_208, %max3A_210 : vector<160x128xf32>
      %sub3A_212 = arith.subf %min3A_207, %max3A_203 : vector<160x128xf32>
      %max3A_213 = arith.constant 0.000000e+00 : f32
      %max3A_214 = vector.broadcast %max3A_213 : f32 to vector<160x128xf32>
      %max3A_215 = arith.maximumf %sub3A_212, %max3A_214 : vector<160x128xf32>
      %mul3A_216 = arith.mulf %max3A_211, %max3A_215 : vector<160x128xf32>
      %add3A_217 = vector.broadcast %mul3A_200 : f32 to vector<160x128xf32>
      %add3A_218 = arith.addf %add3A_217, %mul3A_87 : vector<160x128xf32>
      %sub3A_219 = arith.subf %add3A_218, %mul3A_216 : vector<160x128xf32>
      %div3A = arith.divf %mul3A_216, %sub3A_219 : vector<160x128xf32>
      %gt3A_220 = arith.constant 5.000000e-01 : f32
      %gt3A_221 = vector.broadcast %gt3A_220 : f32 to vector<160x128xf32>
      %gt3A_222 = arith.cmpf ogt, %div3A, %gt3A_221 : vector<160x128xf32>
      %broadcast_in_dim3A_223 = vector.broadcast %scan3A_105 : f32 to vector<160x128xf32>
      %select_n3A_224 = arith.select %gt3A_222, %broadcast_in_dim3A_223, %scan3A_115 : vector<160x128xi1>, vector<160x128xf32>
      %broadcast_in_dim3A_225 = vector.broadcast %scan3A_105 : f32 to vector<160x128xf32>
      %select_n3A_226 = arith.select %eq3A_140, %broadcast_in_dim3A_225, %select_n3A_224 : vector<160x128xi1>, vector<160x128xf32>
      %eq3A_227 = vector.broadcast %scan3A_114 : i32 to vector<1x128xi32>
      %eq3A_228 = arith.cmpi eq, %iota3A_104, %eq3A_227 : vector<1x128xi32>
      %broadcast_in_dim3A_229 = vector.broadcast %reduce_sum3A_148 : f32 to vector<1x128xf32>
      %select_n3A_230 = arith.select %eq3A_228, %broadcast_in_dim3A_229, %scan3A_116 : vector<1x128xi1>, vector<1x128xf32>
      %broadcast_in_dim3A_231 = vector.broadcast %reduce_sum3A_156 : f32 to vector<1x128xf32>
      %select_n3A_232 = arith.select %eq3A_228, %broadcast_in_dim3A_231, %scan3A_117 : vector<1x128xi1>, vector<1x128xf32>
      %broadcast_in_dim3A_233 = vector.broadcast %reduce_sum3A_164 : f32 to vector<1x128xf32>
      %select_n3A_234 = arith.select %eq3A_228, %broadcast_in_dim3A_233, %scan3A_118 : vector<1x128xi1>, vector<1x128xf32>
      %broadcast_in_dim3A_235 = vector.broadcast %reduce_sum3A_172 : f32 to vector<1x128xf32>
      %select_n3A_236 = arith.select %eq3A_228, %broadcast_in_dim3A_235, %scan3A_119 : vector<1x128xi1>, vector<1x128xf32>
      %broadcast_in_dim3A_237 = vector.broadcast %convert_element_type3A_191 : f32 to vector<1x128xf32>
      %select_n3A_238 = arith.select %eq3A_228, %broadcast_in_dim3A_237, %scan3A_120 : vector<1x128xi1>, vector<1x128xf32>
      %broadcast_in_dim3A_239 = vector.broadcast %reduce_max3A_126 : f32 to vector<1x128xf32>
      %select_n3A_240 = arith.select %eq3A_228, %broadcast_in_dim3A_239, %scan3A_121 : vector<1x128xi1>, vector<1x128xf32>
      scf.yield %select_n3A_226, %select_n3A_230, %select_n3A_232, %select_n3A_234, %select_n3A_236, %select_n3A_238, %select_n3A_240 : vector<160x128xf32>, vector<1x128xf32>, vector<1x128xf32>, vector<1x128xf32>, vector<1x128xf32>, vector<1x128xf32>, vector<1x128xf32>
    }
    %scan3A_111 = arith.constant 100 : i32
    %concatenate3A = tpu.concatenate %scan3A_110#1, %scan3A_110#2, %scan3A_110#3, %scan3A_110#4, %scan3A_110#5, %scan3A_110#6, %broadcast_in_dim3A_103, %broadcast_in_dim3A_103 in 0 : vector<1x128xf32>, vector<1x128xf32>, vector<1x128xf32>, vector<1x128xf32>, vector<1x128xf32>, vector<1x128xf32>, vector<1x128xf32>, vector<1x128xf32> -> vector<8x128xf32>
    %swap3A = arith.constant 0 : index
    %swap3A_112 = arith.constant 0 : index
    %swap3A_113 = vector.load %arg5[%swap3A, %swap3A_112] : memref<8x128xf32, #tpu.memory_space<vmem>>, vector<8x128xf32>
    tpu.vector_store %arg5[%swap3A, %swap3A_112], %concatenate3A {strides = array<i32>} : memref<8x128xf32, #tpu.memory_space<vmem>>, vector<8x128xf32>,
    return
  }
}

</mosaic_0001>

<sc_bundles>
// kernel: kernel.9.cloned.1.call-start
scs
__scs_entry_jumppad:
0x0: {  	(pc) =	sbr.rel $0x88, $3  }
0x1: {  	(tag) =	ssettag $0x0;
	lr =	simm.s32 $0x1  }
0x2: {  	[smem:$0x3F96] =	sst lr;
	_ =	strace $0xD0000000  }
0x3: {  	_ = 	snop  }
0x4: {  	_ = 	snop  }
0x5: {  	_ = 	snop  }
0x6: {  	_ = 	snop  }
0x7: {  	_ = 	snop  }
__scs_overlays_trampoline_lowered:
0x8: {  	[smem:$0x3FA5] =	sst s0  }
0x9: {  	[smem:$0x3FA6] =	sst s1  }
0xa: {  	[smem:$0x3FA7] =	sst s2  }
0xb: {  	[smem:$0x3FA8] =	sst s3  }
0xc: {  	[smem:$0x3FA9] =	sst s4  }
0xd: {  	[smem:$0x3FAA] =	sst s5  }
0xe: {  	[smem:$0x3FAB] =	sst s6  }
0xf: {  	[smem:$0x3FAC] =	sst s7  }
0x10: {  	[smem:$0x3FAD] =	sst s8  }
0x11: {  	[smem:$0x3FAE] =	sst s9;
	s0 =	simm.s32 @!p0 $0x0  }
0x12: {  	s1 =	sld [smem:$0x3F94];
	s0 =	simm.s32 @p0 $0x1  }
0x13: {  	[smem:$0x3FAF] =	sst s0;
	s0 =	simm.s32 @!p1 $0x0  }
0x14: {  	s2 =	sld [smem:$0x3F93];
	s0 =	simm.s32 @p1 $0x1  }
0x15: {  	[smem:$0x3FB0] =	sst s0;
	s0 =	simm.s32 @!p2 $0x0  }
0x16: {  	s3 =	sld [smem:$0x3FDB];
	s0 =	simm.s32 @p2 $0x1  }
0x17: {  	s4 =	simm.s32 $0x1BF5;
	[smem:$0x3FB2] =	sst s0  }
0x18: {  	s0 =	sld [smem:$0x3F95];
	_ =	swait.ge [sflag:s4], $0x0  }
0x19: {  	s7 =	sld [smem:$0x3F96]  }
0x1a: {  	s8 =	sadd.s32 $0xFFFFE003, lr  }
0x1b: {  	s9 =	sadd.s32 $0xFFFFFEF7, lr;
	s5 =	simm.s32 $0xFFFFFFFF;
	p2 =	slt.u32 s8, $0xFFFFF086  }
0x1c: {  	p1 =	slt.u32 s9, $0xF7A;
	s5 =	simm.s32 @!p2 $0x0  }
0x1d: {  	s5 =	simm.s32 @p1 $0x1;
	p0 =	seq.s32 s7, s2  }
0x1e: {  	s7 =	smul.u32 @!p0 $0xF7A, s2;
	p2 =	seq.s32 @!p0 s5, $0x0  }
0x1f: {  	s9 =	smul.u32 $0xF7A, s1;
	s8 =	simm.s32 @!p0 $0x1BF5;
	p2 =	por !p2, p0  }
0x20: {  	[sflag:s8] =	ssyncset.s32 @!p0 $0xFFFFF086;
	s6 =	sadd.s32 @!p0 s3, s7;
	s7 =	simm.s32 @!p0 $0x108  }
0x21: {  	s3 =	sadd.s32 s3, s9;
	s6 =	sadd.s32 @!p0 $0x88, s6;
	s7 =	simm.s32 @p2 $0x1082  }
0x22: {  	[simem:s7], [sflag:s8] =	dma.local @!p0 [hbm:s6], $0xF7A  }
0x23: {  	s9 =	sor.u32 $0xD0000000, s2;
	s6 =	simm.s32 $0x108;
	_ =	swait.ge @!p0 [sflag:s8], $0x0  }
0x24: {  	s3 =	sadd.s32 $0x88, s3;
	s6 =	simm.s32 @!p1 $0x1082;
	[sflag:s4] =	ssyncset.s32 $0xFFFFF086  }
0x25: {  	[simem:s6], [sflag:s4] =	dma.local [hbm:s3], $0xF7A  }
0x26: {  	[smem:$0x3F96] =	sst s1;
	(tag) =	ssettag s2;
	_ =	strace s9  }
0x27: {  	s1 =	sld [smem:$0x3FA6]  }
0x28: {  	s2 =	sld [smem:$0x3FA7]  }
0x29: {  	s4 =	sld [smem:$0x3FA9]  }
0x2a: {  	p0 =	seq.s32 s5, $0x0;
	s5 =	sld [smem:$0x3FAA]  }
0x2b: {  	s6 =	sld [smem:$0x3FAB]  }
0x2c: {  	s7 =	sld [smem:$0x3FAC]  }
0x2d: {  	s3 =	simm.s32 $0x108;
	s8 =	sld [smem:$0x3FAD]  }
0x2e: {  	s3 =	simm.s32 @!p0 $0x1082;
	s9 =	sld [smem:$0x3FAE]  }
0x2f: {  	lr =	sadd.s32 s0, s3;
	s0 =	sld [smem:$0x3FA5]  }
0x30: {  	s3 =	sld [smem:$0x3FA8]  }
0x31: {  	[smem:$0x3FB1] =	sst s10  }
0x32: {  	s10 =	sld [smem:$0x3FAF];
	_ =	sdelay $0x3  }
0x33: {  	p0 =	seq.s32 s10, $0x1;
	s10 =	sld [smem:$0x3FB1];
	_ =	sdelay $0x3  }
0x34: {  	[smem:$0x3FB1] =	sst s10  }
0x35: {  	s10 =	sld [smem:$0x3FB0];
	_ =	sdelay $0x3  }
0x36: {  	p1 =	seq.s32 s10, $0x1;
	s10 =	sld [smem:$0x3FB1];
	_ =	sdelay $0x3  }
0x37: {  	[smem:$0x3FB1] =	sst s10  }
0x38: {  	s10 =	sld [smem:$0x3FB2]  }
0x39: {  	_ = 	snop;
	(pc) =	sbr.ind lr, $3  }
0x3a: {  	_ = 	snop  }
0x3b: {  	_ = 	snop  }
0x3c: {  	p2 =	seq.s32 s10, $0x1;
	s10 =	sld [smem:$0x3FB1]  }
0x3d: {  	_ =	shalt  }
0x3e: {  	_ =	shalt  }
0x3f: {  	_ =	shalt  }
0x40: {  	_ =	shalt  }
0x41: {  	_ =	shalt  }
0x42: {  	_ =	shalt  }
0x43: {  	_ =	shalt  }
0x44: {  	_ =	shalt  }
0x45: {  	_ =	shalt  }
0x46: {  	_ =	shalt  }
0x47: {  	_ =	shalt  }
0x48: {  	_ =	shalt  }
0x49: {  	_ =	shalt  }
0x4a: {  	_ =	shalt  }
0x4b: {  	_ =	shalt  }
0x4c: {  	_ =	shalt  }
0x4d: {  	_ =	shalt  }
0x4e: {  	_ =	shalt  }
0x4f: {  	_ =	shalt  }
0x50: {  	_ =	shalt  }
0x51: {  	_ =	shalt  }
0x52: {  	_ =	shalt  }
0x53: {  	_ =	shalt  }
0x54: {  	_ =	shalt  }
0x55: {  	_ =	shalt  }
0x56: {  	_ =	shalt  }
0x57: {  	_ =	shalt  }
0x58: {  	_ =	shalt  }
0x59: {  	_ =	shalt  }
0x5a: {  	_ =	shalt  }
0x5b: {  	_ =	shalt  }
0x5c: {  	_ =	shalt  }
0x5d: {  	_ =	shalt  }
0x5e: {  	_ =	shalt  }
0x5f: {  	_ =	shalt  }
0x60: {  	_ =	shalt  }
0x61: {  	_ =	shalt  }
0x62: {  	_ =	shalt  }
0x63: {  	_ =	shalt  }
0x64: {  	_ =	shalt  }
0x65: {  	_ =	shalt  }
0x66: {  	_ =	shalt  }
0x67: {  	_ =	shalt  }
0x68: {  	_ =	shalt  }
0x69: {  	_ =	shalt  }
0x6a: {  	_ =	shalt  }
0x6b: {  	_ =	shalt  }
0x6c: {  	_ =	shalt  }
0x6d: {  	_ =	shalt  }
0x6e: {  	_ =	shalt  }
0x6f: {  	_ =	shalt  }
0x70: {  	_ =	shalt  }
0x71: {  	_ =	shalt  }
0x72: {  	_ =	shalt  }
0x73: {  	_ =	shalt  }
0x74: {  	_ =	shalt  }
0x75: {  	_ =	shalt  }
0x76: {  	_ =	shalt  }
0x77: {  	_ =	shalt  }
0x78: {  	_ =	shalt  }
0x79: {  	_ =	shalt  }
0x7a: {  	_ =	shalt  }
0x7b: {  	_ =	shalt  }
0x7c: {  	_ =	shalt  }
0x7d: {  	_ =	shalt  }
0x7e: {  	_ =	shalt  }
0x7f: {  	_ =	shalt  }
0x80: {  	_ =	shalt  }
0x81: {  	_ =	shalt  }
0x82: {  	_ =	shalt  }
0x83: {  	_ =	shalt  }
0x84: {  	_ =	shalt  }
0x85: {  	_ =	shalt  }
0x86: {  	_ =	shalt  }
0x87: {  	_ =	shalt  }
.Lfunc_end0:
.L_simem_size_0:
called_computation_lowered:
.L_overlay_start_0:
0x88: {  	s2 =	sld [smem:$0x3FD9]  }
0x89: {  	s3 =	sld [smem:$0x3FFE];
	_ =	sdelay $0x1  }
0x8a: {  	s1 =	srdreg.scid  }
0x8b: {  	s0 =	sand.u32 $0x1, s1  }
0x8c: {  	s16 =	sshll.u32 s0, $0xA;
	s2 =	sadd.s32 s3, s2  }
0x8d: {  	s2 =	sadd.s32 s2, s16  }
0x8e: {  	[smem:$0x3FBD] =	sst s2  }
0x8f: {  	_ = 	snop  }
0x90: {  	(tm) =	ssettm $0x1  }
0x91: {  	s17 =	sld [smem:$0x3FFB];
	_ =	sdelay $0x3  }
0x92: {  	_ =	strace s17  }
0x93: {  	s2 =	sld [smem:$0x3FFC];
	_ =	sdelay $0x3  }
0x94: {  	_ =	strace s2  }
0x95: {  	s2 =	sld [smem:$0x3FFD];
	_ =	sdelay $0x3  }
0x96: {  	_ =	strace s2  }
0x97: {  	_ =	strace $0x8FFFFFFF  }
0x98: {  	s18 =	sld [smem:$0x3FDB];
	_ =	sdelay $0x1  }
0x99: {  	s19 =	simm.s32 $_scs_section_size  }
0x9a: {  	s4 =	simm.s32 $_size__tile_overlayer_lowered;
	s5 =	simm.s32 $_tile_overlayer_lowered  }
0x9b: {  	s22 =	simm.s32 $0x1BFF;
	s21 =	sshll.u32 s5, $0x1;
	s2 =	sadd.s32 s19, s18  }
0x9c: {  	s6 =	simm.s32 $0x0;
	s20 =	sshll.u32 s4, $0x1;
	s4 =	sadd.s32 s21, s2  }
0x9d: {  	[timem:s6], [sflag:s22] =	dma.local [hbm:s4], s20  }
0x9e: {  	_ =	swait.ge [sflag:s22], s20  }
0x9f: {  	s3 =	ssub.s32 $0x0, s20;
	[sflag:s22] =	ssyncset.done $0x0  }
0xa0: {  	[sflag:s22] =	ssyncadd.s32 s3;
	_ =	sdelay $0x1  }
0xa1: {  	s23 =	simm.s32 $0x1B8B  }
0xa2: {  	_ =	swait.ge [sflag:s23], $0x1  }
0xa3: {  	[sflag:s23] =	ssyncset.done $0x0  }
0xa4: {  	s25 =	simm.s32 $0x1B8E;
	s24 =	sld [smem:$0x3FFE];
	[sflag:s23] =	ssyncadd.s32 $0xFFFFFFFF  }
0xa5: {  	s26 =	simm.s32 $execute0_lowered;
	[smem:$0x3FD2] =	sst s25  }
0xa6: {  	s4 =	sshll.u32 s26, $0x1;
	_ =	strace $0x80000046;
	[dreg:$0x1] =	wrdreg $0xFFFFFFFF  }
0xa7: {  	s28 =	simm.s32 $_size_execute0_lowered;
	s2 =	sadd.s32 s2, s4;
	[dreg:$0x0] =	wrdreg $0x0  }
0xa8: {  	s4 =	sshll.u32 s28, $0x1;
	[dreg:$0x2] =	wrdreg s2  }
0xa9: {  	[dreg:$0x3] =	wrdreg s4  }
0xaa: {  	[dreg:$0x4] =	wrdreg $0xC0  }
0xab: {  	_ =	task [dreg:s6], $0x5FFFF  }
0xac: {  	[dreg:$0x1] =	wrdreg $0xFFFFFFFF  }
0xad: {  	[dreg:$0x0] =	wrdreg $0x60  }
0xae: {  	[dreg:$0x2] =	wrdreg s24  }
0xaf: {  	[dreg:$0x3] =	wrdreg $0x9  }
0xb0: {  	_ =	task.clear_ibuf [dreg:s6], $0x4FFFF;
	_ =	strace $0x90000046  }
0xb1: {  	s29 =	simm.s32 $0x9;
	_ =	strace $0x80000048  }
0xb2: {  	_ =	swait.ge [sflag:s29], $0x1  }
0xb3: {  	[sflag:s29] =	ssyncadd.s32 $0xFFFFFFFF  }
0xb4: {  	_ =	strace $0x90000048  }
0xb5: {  	_ =	sfence  }
0xb6: {  	s30 =	sld [smem:$0x0];
	_ =	sdelay $0x2  }
0xb7: {  	s31 =	sshll.u32 s1, $0xD;
	s1 =	sshrl.u32 s1, $0x2  }
0xb8: {  	s3 =	sand.u32 $0x4000, s31;
	s1 =	sadd.s32 s1, s30  }
0xb9: {  	s0 =	sor.u32 s3, s0;
	s1 =	sshll.u32 s1, $0x11  }
0xba: {  	s0 =	sor.u32 s1, s0  }
0xbb: {  	s0 =	sadd.s32 $0x8F2B, s0  }
0xbc: {  	[sflag:s0] =	ssyncadd.remote.s32 $0x1  }
0xbd: {  	_ =	sfence.sel $0xFFFF  }
0xbe: {  	[dreg:$0x0] =	wrdreg $0xFFFFFFFF;
	(pc) =	sbr.abs _section_cstart, $3  }
0xbf: {  	[dreg:$0x1] =	wrdreg $0xFFFFFFFF  }
0xc0: {  	_ =	task.clear_ibuf [dreg:s6], $0x2FFFF;
	_ =	strace $0x9FFFFFFF  }
0xc1: {  	(tm) =	ssettm $0x7FFFFFFF  }
tec
execute0_lowered:
.L_overlay_start_1:
0x0: {  	(tag) =	ssettag $0x1  }
0x1: {  	s5 =	rddreg [dreg:$0x0]  }
0x2: {  	s0 =	rddreg [dreg:$0x1]  }
0x3: {  	s3 =	srdreg.scid;
	s1 =	stileid.u32;
	s2 =	simm.s32 $0x0  }
0x4: {  	s11 =	simm.s32 $0x1600;
	s12 =	simm.s32 $0x1E00;
	s13 =	simm.s32 $0x2600  }
0x5: {  	s14 =	simm.s32 $0x2E00;
	s15 =	simm.s32 $0x3600;
	s16 =	simm.s32 $0x3E00  }
0x6: {  	s17 =	simm.s32 $0x4600;
	s18 =	simm.s32 $0x4E00;
	s19 =	simm.s32 $0x5600  }
0x7: {  	s20 =	simm.s32 $0x5E00;
	s21 =	simm.s32 $0x6600;
	s22 =	simm.s32 $0x6E00  }
0x8: {  	s23 =	simm.s32 $0x7600;
	s24 =	simm.s32 $0x7E00;
	s25 =	simm.s32 $0x1  }
0x9: {  	s4 =	sand.u32 $0x1, s3;
	s26 =	sshll.u32 s1, $0x1;
	[smem:$0x7FF] =	sst s2  }
0xa: {  	s7 =	smul.u32 $0x30000, s1;
	s3 =	sor.u32 s4, s26;
	_ =	strace $0x80000047  }
0xb: {  	s8 =	ssub.s32 $0x2, s4;
	s10 =	smul.u32 $0x18000, s4;
	s26 =	simm.s32 $0x0  }
0xc: {  	s6 =	smul.u32 $0x600, s3;
	s9 =	sshrl.u32 s8, $0x1;
	s29 =	sadd.s32 s7, s5  }
0xd: {  	s3 =	sadd.s32 $0x6400, s5;
	s30 =	ssub.s32 s8, s9;
	s31 =	sadd.s32 s10, s29  }
0xe: {  	v2 =	vlaneseq.u32;
	s8 =	simm.s32 $0x2;
	s9 =	simm.s32 $0x600;
	s6 =	sshrl.u32 s6, $0x3  }
0xf: {  	vm0 =	vmmov $0xffff;
	v1 =	vshrl.u32 v2, $0x3;
	s10 =	simm.s32 $0xE00;
	s7 =	sadd.s32 $0x2FC00, s31;
	s28 =	sadd.s32 s6, s5  }
0x10: {  	v0 =	vand.u32 $0x7, v2;
	v2 =	vor.u32 $0x8, v2;
	v1 =	vmul.u32 $0x8, v1;
	s5 =	sadd.s32 $0x6500, s5;
	s6 =	smax.u32 s30, $0x1;
	s4 =	sadd.s32 $0x2E400, s28  }
.LBB2_1:
0x11: {  	[tilespmem:s2], [sflag:$0x2] =	stream.linear.gather [hbm4b:s4+s2], $0x600, $0x38;
	[tilespmem:$0x8600] =	vst v63  }
0x12: {  	_ =	swait.ge [sflag:s8], $0x600  }
0x13: {  	[sflag:s8] =	ssyncset.done $0x0  }
0x14: {  	s28 =	simm.s32 $0x20;
	s29 =	simm.s32 $0x0;
	[sflag:s8] =	ssyncadd.s32 $0xFFFFFA00  }
.LBB2_2:
0x15: {  	v3 =	vld [tilespmem:s28+$0xFFFFFFE0];
	_ =	sdelay $0x4  }
0x16: {  	v4 =	vshll.u32 v3, $0x2  }
0x17: {  	v3 =	vand.u32 $0x7, v3;
	v4 =	vand.u32 $0xFFFFFFE0, v4  }
0x18: {  	v3 =	vor.u32 v3, v4  }
0x19: {  	v4 =	vperm.xlane v3, v0;
	_ =	sdelay $0x1  }
0x1a: {  	v4 =	vadd.s32 v1, v4;
	_ =	sdelay $0x1  }
0x1b: {  	v3 =	vperm.xlane v3, v2;
	_ =	sdelay $0x1  }
0x1c: {  	v3 =	vadd.s32 v1, v3  }
0x1d: {  	[tilespmem:s9], [sflag:$0x1] =	stream.indirect_vreg.gather [hbm4b:s3+s2], $0x80, v4, vm0, $0xb8;
	[tilespmem:$0x8600] =	vst v63  }
0x1e: {  	_ = 	snop  }
0x1f: {  	[tilespmem:s10], [sflag:$0x1] =	stream.indirect_vreg.gather [hbm4b:s5+s2], $0x80, v4, vm0, $0xb8;
	[tilespmem:$0x8600] =	vst v63  }
0x20: {  	_ = 	snop  }
0x21: {  	[tilespmem:s11], [sflag:$0x1] =	stream.indirect_vreg.gather [hbm4b:s3+s2], $0x80, v3, vm0, $0xb8;
	[tilespmem:$0x8600] =	vst v63  }
0x22: {  	_ = 	snop  }
0x23: {  	[tilespmem:s12], [sflag:$0x1] =	stream.indirect_vreg.gather [hbm4b:s5+s2], $0x80, v3, vm0, $0xb8;
	[tilespmem:$0x8600] =	vst v63  }
0x24: {  	v3 =	vld [tilespmem:s28+$0xFFFFFFF0];
	_ =	sdelay $0x4  }
0x25: {  	v61 =	vshll.u32 v3, $0x2  }
0x26: {  	v3 =	vand.u32 $0x7, v3;
	v4 =	vand.u32 $0xFFFFFFE0, v61  }
0x27: {  	v3 =	vor.u32 v3, v4  }
0x28: {  	v4 =	vperm.xlane v3, v0;
	_ =	sdelay $0x1  }
0x29: {  	v4 =	vadd.s32 v1, v4;
	_ =	sdelay $0x1  }
0x2a: {  	v3 =	vperm.xlane v3, v2;
	_ =	sdelay $0x1  }
0x2b: {  	v3 =	vadd.s32 v1, v3  }
0x2c: {  	[tilespmem:s13], [sflag:$0x1] =	stream.indirect_vreg.gather [hbm4b:s3+s2], $0x80, v4, vm0, $0xb8;
	[tilespmem:$0x8600] =	vst v63  }
0x2d: {  	_ = 	snop  }
0x2e: {  	[tilespmem:s14], [sflag:$0x1] =	stream.indirect_vreg.gather [hbm4b:s5+s2], $0x80, v4, vm0, $0xb8;
	[tilespmem:$0x8600] =	vst v63  }
0x2f: {  	_ = 	snop  }
0x30: {  	[tilespmem:s15], [sflag:$0x1] =	stream.indirect_vreg.gather [hbm4b:s3+s2], $0x80, v3, vm0, $0xb8;
	[tilespmem:$0x8600] =	vst v63  }
0x31: {  	_ = 	snop  }
0x32: {  	[tilespmem:s16], [sflag:$0x1] =	stream.indirect_vreg.gather [hbm4b:s5+s2], $0x80, v3, vm0, $0xb8;
	[tilespmem:$0x8600] =	vst v63  }
0x33: {  	v3 =	vld [tilespmem:s28+$0x0];
	_ =	sdelay $0x4  }
0x34: {  	v62 =	vshll.u32 v3, $0x2  }
0x35: {  	v3 =	vand.u32 $0x7, v3;
	v4 =	vand.u32 $0xFFFFFFE0, v62  }
0x36: {  	v3 =	vor.u32 v3, v4  }
0x37: {  	v4 =	vperm.xlane v3, v0;
	_ =	sdelay $0x1  }
0x38: {  	v4 =	vadd.s32 v1, v4;
	_ =	sdelay $0x1  }
0x39: {  	v3 =	vperm.xlane v3, v2;
	_ =	sdelay $0x1  }
0x3a: {  	v3 =	vadd.s32 v1, v3  }
0x3b: {  	[tilespmem:s17], [sflag:$0x1] =	stream.indirect_vreg.gather [hbm4b:s3+s2], $0x80, v4, vm0, $0xb8;
	[tilespmem:$0x8600] =	vst v63  }
0x3c: {  	_ = 	snop  }
0x3d: {  	[tilespmem:s18], [sflag:$0x1] =	stream.indirect_vreg.gather [hbm4b:s5+s2], $0x80, v4, vm0, $0xb8;
	[tilespmem:$0x8600] =	vst v63  }
0x3e: {  	_ = 	snop  }
0x3f: {  	[tilespmem:s19], [sflag:$0x1] =	stream.indirect_vreg.gather [hbm4b:s3+s2], $0x80, v3, vm0, $0xb8;
	[tilespmem:$0x8600] =	vst v63  }
0x40: {  	_ = 	snop  }
0x41: {  	[tilespmem:s20], [sflag:$0x1] =	stream.indirect_vreg.gather [hbm4b:s5+s2], $0x80, v3, vm0, $0xb8;
	[tilespmem:$0x8600] =	vst v63  }
0x42: {  	v3 =	vld [tilespmem:s28+$0x10];
	_ =	sdelay $0x4  }
0x43: {  	v63 =	vshll.u32 v3, $0x2  }
0x44: {  	v3 =	vand.u32 $0x7, v3;
	v4 =	vand.u32 $0xFFFFFFE0, v63  }
0x45: {  	v3 =	vor.u32 v3, v4  }
0x46: {  	v4 =	vperm.xlane v3, v0;
	_ =	sdelay $0x1  }
0x47: {  	v4 =	vadd.s32 v1, v4;
	_ =	sdelay $0x1  }
0x48: {  	v3 =	vperm.xlane v3, v2;
	_ =	sdelay $0x1  }
0x49: {  	v3 =	vadd.s32 v1, v3  }
0x4a: {  	[tilespmem:s21], [sflag:$0x1] =	stream.indirect_vreg.gather [hbm4b:s3+s2], $0x80, v4, vm0, $0xb8;
	[tilespmem:$0x8600] =	vst v63  }
0x4b: {  	_ = 	snop  }
0x4c: {  	[tilespmem:s22], [sflag:$0x1] =	stream.indirect_vreg.gather [hbm4b:s5+s2], $0x80, v4, vm0, $0xb8;
	[tilespmem:$0x8600] =	vst v63  }
0x4d: {  	_ = 	snop  }
0x4e: {  	[tilespmem:s23], [sflag:$0x1] =	stream.indirect_vreg.gather [hbm4b:s3+s2], $0x80, v3, vm0, $0xb8;
	[tilespmem:$0x8600] =	vst v63  }
0x4f: {  	_ = 	snop  }
0x50: {  	[tilespmem:s24], [sflag:$0x1] =	stream.indirect_vreg.gather [hbm4b:s5+s2], $0x80, v3, vm0, $0xb8;
	[tilespmem:$0x8600] =	vst v63  }
0x51: {  	_ =	swait.ge [sflag:s25], $0x8000  }
0x52: {  	p0 =	sne.s32 s29, $0x17000;
	[sflag:s25] =	ssyncset.done $0x0  }
.Ltmp0:
0x53: {  	s30 =	sadd.s32 s29, s7;
	[sflag:s25] =	ssyncadd.s32 $0xFFFF8000;
	(pc) =	sbr.rel @p0 .LBB2_2-.Ltmp0, $4  }
0x54: {  	[hbm4b:s30+s2] =	stream.linear.scatter [tilespmem:s9], [sflag:$0x2], $0x8000, $0x38;
	[tilespmem:$0x8600] =	vst v63  }
0x55: {  	_ =	swait.ge [sflag:s8], $0x8000  }
0x56: {  	[sflag:s8] =	ssyncset.done $0x0  }
0x57: {  	s29 =	sadd.s32 $0x1000, s29;
	s28 =	sadd.s32 $0x40, s28;
	[sflag:s8] =	ssyncadd.s32 $0xFFFF8000  }
0x58: {  	s26 =	sadd.s32 $0x1, s26  }
0x59: {  	p0 =	sne.s32 s26, s6  }
.Ltmp1:
0x5a: {  	_ = 	snop;
	(pc) =	sbr.rel @p0 .LBB2_1-.Ltmp1, $1  }
0x5b: {  	_ =	sdelay $0x3  }
0x5c: {  	_ =	sfence.sel $0x180000  }
0x5d: {  	[bflag:$0x0] =	sbarrier.arrive $0xFFFF  }
0x5e: {  	p0 =	sne.s32 s1, $0x0;
	_ =	strace $0x90000047  }
0x5f: {  	s0 =	sadd.s32 @!p0 $0x100000, s0;
	[bflag:$0x2] =	sbarrier.arrive $0xFFFF  }
0x60: {  	[sflag:s0] =	ssyncadd.tile.s32 @!p0 $0x1;
	_ =	shalt  }
.Lfunc_end2:
_tile_overlayer_lowered:
.L_overlay_start_2:
0x61: {  	(tag) =	ssettag $0x2  }
0x62: {  	s0 =	rddreg [dreg:$0x0];
	s2 =	stileid.u32  }
0x63: {  	s1 =	rddreg [dreg:$0x1];
	p0 =	sne.s32 s2, $0x0  }
0x64: {  	s3 =	rddreg [dreg:$0x2];
	[bflag:$0x3] =	sbarrier.arrive $0xFFFF;
	s2 =	simm.s32 @!p0 $0x1C02  }
0x65: {  	[timem:s3], [sflag:s2] =	dma.local @!p0 [hbm:s0], s1  }
0x66: {  	s0 =	simm.s32 @!p0 $0x2  }
0x67: {  	_ =	swait.ge @!p0 [sflag:s0], s1  }
0x68: {  	s1 =	ssub.s32 @!p0 $0x0, s1;
	[sflag:s0] =	ssyncset.done @!p0 $0x0  }
0x69: {  	[sflag:s0] =	ssyncadd.s32 @!p0 s1  }
0x6a: {  	[bflag:$0x3] =	sbarrier.arrive $0xFFFF  }
0x6b: {  	_ =	shalt  }

</sc_bundles>
